<compile_context>
chip_gen: v7x
topology: tpu7x:2x2x1
jax: 0.10.2.dev20260603
libtpu: 0.0.44.dev20260713+nightly
codegen_flags: <defaults>
</compile_context>

<pallas_src>
import functools

import jax
import jax.numpy as jnp
from jax import lax
from jax.experimental import pallas as pl
from jax.experimental.pallas import tpu as pltpu
from jax.experimental.pallas import tpu_sc as plsc

BATCH = 16384
D = 32
NT = 4
NC = 2
NS = 16
NW = NC * NS
BPW = BATCH // NW
CHUNK = 128
NCHUNK = BPW // CHUNK
L = 16
GROUPS = BPW // L
SW = (NT - 1) * D

_MESH = plsc.VectorSubcoreMesh(core_axis_name="c", subcore_axis_name="s")
_PARAMS = pltpu.CompilerParams(
    use_tc_tiling_on_sc=False, needs_layout_passes=False)


@functools.partial(
    pl.kernel,
    out_type=jax.ShapeDtypeStruct((BATCH, SW), jnp.float32),
    mesh=_MESH,
    compiler_params=_PARAMS,
    scratch_types=[
        pltpu.VMEM((NT - 1, BPW), jnp.int32),
        pltpu.VMEM((2 * L, D), jnp.float32),
        pltpu.VMEM((2 * L, D), jnp.float32),
        pltpu.VMEM((2 * L, D), jnp.float32),
        pltpu.VMEM((BPW, SW), jnp.float32),
        pltpu.SemaphoreType.DMA,
    ],
)
def _small_kernel(g_idx, a_idx, o_idx, w_gender, w_age, w_occ, out_hbm,
                  idx_v, sg_v, sa_v, so_v, big_v, isem):
    wid = lax.axis_index("s") * NC + lax.axis_index("c")
    base = wid * BPW
    stage = [pltpu.async_copy(arr.at[pl.ds(base, BPW)], idx_v.at[t], isem)
             for t, arr in enumerate((g_idx, a_idx, o_idx))]
    for w, buf in ((w_gender, sg_v), (w_age, sa_v), (w_occ, so_v)):
        stage.append(pltpu.async_copy(
            w, buf.at[pl.ds(0, w.shape[0])], isem))
    for c in stage:
        c.wait()

    def group_body(i, carry):
        rbase = i * L
        for t, buf in ((0, sg_v), (1, sa_v), (2, so_v)):
            ridx = idx_v[t, pl.ds(rbase, L)]
            for j in range(L):
                s = ridx[j]
                r = rbase + j
                for h in (0, L):
                    big_v[r, pl.ds(t * D + h, L)] = buf[s, pl.ds(h, L)]
        return carry

    lax.fori_loop(0, GROUPS, group_body, 0)
    pltpu.sync_copy(big_v, out_hbm.at[pl.ds(base, BPW)])


@functools.partial(
    pl.kernel,
    out_type=jax.ShapeDtypeStruct((BATCH, NT * D), jnp.float32),
    mesh=_MESH,
    compiler_params=_PARAMS,
    scratch_types=[
        pltpu.VMEM((BPW,), jnp.int32),
        pltpu.VMEM((BPW, D), jnp.float32),
        pltpu.VMEM((BPW, SW), jnp.float32),
        pltpu.SemaphoreType.DMA,
        pltpu.SemaphoreType.DMA,
    ],
)
def _area_kernel(z_idx, w_area, small_hbm, out_hbm,
                 idx_v, area_v, sm_v, gsem, osem):
    wid = lax.axis_index("s") * NC + lax.axis_index("c")
    base = wid * BPW
    sm_cp = pltpu.async_copy(small_hbm.at[pl.ds(base, BPW)], sm_v, osem)
    pltpu.sync_copy(z_idx.at[pl.ds(base, BPW)], idx_v)
    copies = [
        pltpu.async_copy(
            w_area.at[idx_v.at[pl.ds(j * CHUNK, CHUNK)]],
            area_v.at[pl.ds(j * CHUNK, CHUNK)],
            gsem,
        )
        for j in range(NCHUNK)
    ]
    sm_cp.wait()
    wr_small = pltpu.async_copy(
        sm_v, out_hbm.at[pl.ds(base, BPW), pl.ds(0, SW)], osem)
    for c in copies:
        c.wait()
    wr_area = pltpu.async_copy(
        area_v, out_hbm.at[pl.ds(base, BPW), pl.ds(SW, D)], osem)
    wr_small.wait()
    wr_area.wait()


def kernel(gender_idx, age_idx, occupation_idx, area_idx,
           W_gender, W_age, W_occupation, W_area):
    small = _small_kernel(
        gender_idx.astype(jnp.int32), age_idx.astype(jnp.int32),
        occupation_idx.astype(jnp.int32), W_gender, W_age, W_occupation)
    return _area_kernel(area_idx.astype(jnp.int32), W_area, small)

# --- scband reference (transcript-rebuilt; emitter-appended) ---
"""Pipeline reference for scband-user-4449586119182 (READ-ONLY COPY).

The authoritative reference and input builder live on the scoring server;
editing this copy changes nothing except your own understanding.
"""

import jax, jax.numpy as jnp
import numpy as np

BATCH = 16384
EMBED_DIM = 32
NUM_GENDER = 2
NUM_AGE = 7
NUM_OCCUPATION = 21
NUM_ZIPCODE = 100000

def setup_inputs(seed: int = 0) -> dict:
    key = jax.random.key(seed)
    k1, k2, k3, k4, k5, k6, k7, k8 = jax.random.split(key, 8)
    gender_idx = jax.random.randint(k1, (BATCH,), 0, NUM_GENDER, dtype=jnp.int64 if jax.config.jax_enable_x64 else jnp.int32)
    age_idx = jax.random.randint(k2, (BATCH,), 0, NUM_AGE, dtype=jnp.int32)
    occupation_idx = jax.random.randint(k3, (BATCH,), 0, NUM_OCCUPATION, dtype=jnp.int32)
    area_idx = jax.random.randint(k4, (BATCH,), 0, NUM_ZIPCODE, dtype=jnp.int32)
    # learned embedding tables (torch.nn.Embedding default init ~ N(0,1))
    W_gender = jax.random.normal(k5, (NUM_GENDER, EMBED_DIM), dtype=jnp.float32)
    W_age = jax.random.normal(k6, (NUM_AGE, EMBED_DIM), dtype=jnp.float32)
    W_occupation = jax.random.normal(k7, (NUM_OCCUPATION, EMBED_DIM), dtype=jnp.float32)
    W_area = jax.random.normal(k8, (NUM_ZIPCODE, EMBED_DIM), dtype=jnp.float32)
    return {
        "gender_idx": gender_idx,
        "age_idx": age_idx,
        "occupation_idx": occupation_idx,
        "area_idx": area_idx,
        "W_gender": W_gender,
        "W_age": W_age,
        "W_occupation": W_occupation,
        "W_area": W_area,
    }

def reference(gender_idx, age_idx, occupation_idx, area_idx, W_gender, W_age, W_occupation, W_area):
    gender_emb = jnp.take(W_gender, gender_idx, axis=0)
    age_emb = jnp.take(W_age, age_idx, axis=0)
    occupation_emb = jnp.take(W_occupation, occupation_idx, axis=0)
    area_emb = jnp.take(W_area, area_idx, axis=0)
    return jnp.concatenate((gender_emb, age_emb, occupation_emb, area_emb), axis=1)

if __name__ == "__main__":
    import jax
    _d = setup_inputs()
    print(jax.jit(kernel)(*tuple(_d.values())))

</pallas_src>

<mosaic_0001>
#map = affine_map<(d0, d1) -> (0)>
#map1 = affine_map<(d0, d1) -> (0, 0)>
module attributes {stable_mosaic.version = 14 : i64} {
  func.func @_area_kernel(%arg0: i32, %arg1: i32, %arg2: memref<16384xi32, #tpu.memory_space<hbm>>, %arg3: memref<100000x32xf32, #tpu.memory_space<hbm>>, %arg4: memref<16384x96xf32, #tpu.memory_space<hbm>>, %arg5: memref<16384x128xf32, #tpu.memory_space<hbm>>, %arg6: memref<512xi32, #tpu.memory_space<vmem>>, %arg7: memref<512x32xf32, #tpu.memory_space<vmem>>, %arg8: memref<512x96xf32, #tpu.memory_space<vmem>>, %arg9: memref<!tpu.dma_semaphore, #tpu.memory_space<semaphore_mem>>, %arg10: memref<!tpu.dma_semaphore, #tpu.memory_space<semaphore_mem>>) attributes {dimension_semantics = [#tpu.dimension_semantics<core_parallel>, #tpu.dimension_semantics<subcore_parallel>], iteration_bounds = array<i64: 2, 16>, scalar_prefetch = 0 : i64, scratch_operands = 5 : i64, tpu.core_type = #tpu.core_type<sc_vector_subcore>, window_params = [{transform_indices = #map}, {transform_indices = #map1}, {transform_indices = #map1}, {transform_indices = #map1}]} {
    %mul3A = arith.constant 2 : i32
    %mul3A_0 = arith.muli %arg1, %mul3A : i32
    %add3A = arith.addi %mul3A_0, %arg0 : i32
    %mul3A_1 = arith.constant 512 : i32
    %mul3A_2 = arith.muli %add3A, %mul3A_1 : i32
    %dma_start3A = arith.constant 0 : i32
    %dma_start3A_3 = tpu.memref_slice %arg4[%mul3A_2, %dma_start3A] : memref<16384x96xf32, #tpu.memory_space<hbm>> -> memref<512x96xf32, #tpu.memory_space<hbm>>
    %dma_start3A_4 = arith.constant 0 : i32
    %dma_start3A_5 = tpu.memref_slice %arg4[%mul3A_2, %dma_start3A_4] : memref<16384x96xf32, #tpu.memory_space<hbm>> -> memref<512x96xf32, #tpu.memory_space<hbm>>
    tpu.enqueue_dma source(%dma_start3A_5 : memref<512x96xf32, #tpu.memory_space<hbm>>) target(%arg8 : memref<512x96xf32, #tpu.memory_space<vmem>>) target_semaphore(%arg10 : memref<!tpu.dma_semaphore, #tpu.memory_space<semaphore_mem>>)
    "tpu.region"() ({
      %run_scoped3A = tpu.sem_alloc : memref<!tpu.dma_semaphore, #tpu.memory_space<semaphore_mem>>
      %dma_start3A_89 = tpu.memref_slice %arg2[%mul3A_2] : memref<16384xi32, #tpu.memory_space<hbm>> -> memref<512xi32, #tpu.memory_space<hbm>>
      %dma_start3A_90 = tpu.memref_slice %arg2[%mul3A_2] : memref<16384xi32, #tpu.memory_space<hbm>> -> memref<512xi32, #tpu.memory_space<hbm>>
      tpu.enqueue_dma source(%dma_start3A_90 : memref<512xi32, #tpu.memory_space<hbm>>) target(%arg6 : memref<512xi32, #tpu.memory_space<vmem>>) target_semaphore(%run_scoped3A : memref<!tpu.dma_semaphore, #tpu.memory_space<semaphore_mem>>)
      %dma_wait3A_91 = tpu.memref_slice %arg2[%mul3A_2] : memref<16384xi32, #tpu.memory_space<hbm>> -> memref<512xi32, #tpu.memory_space<hbm>>
      %dma_wait3A_92 = tpu.memref_slice %arg2[%mul3A_2] : memref<16384xi32, #tpu.memory_space<hbm>> -> memref<512xi32, #tpu.memory_space<hbm>>
      tpu.wait_dma2 semaphore(%run_scoped3A : memref<!tpu.dma_semaphore, #tpu.memory_space<semaphore_mem>>) src(%dma_wait3A_92 : memref<512xi32, #tpu.memory_space<hbm>>) dst(%arg6 : memref<512xi32, #tpu.memory_space<vmem>>)
      tpu.yield
    }) : () -> ()
    %dma_start3A_6 = arith.constant 0 : i32
    %dma_start3A_7 = arith.constant 0 : i32
    %dma_start3A_8 = tpu.memref_slice %arg7[%dma_start3A_6, %dma_start3A_7] : memref<512x32xf32, #tpu.memory_space<vmem>> -> memref<128x32xf32, #tpu.memory_space<vmem>>
    %dma_start3A_9 = arith.constant 0 : i32
    %dma_start3A_10 = tpu.memref_slice %arg6[%dma_start3A_9] : memref<512xi32, #tpu.memory_space<vmem>> -> memref<128xi32, #tpu.memory_space<vmem>>
    %dma_start3A_11 = arith.constant 0 : i32
    %dma_start3A_12 = arith.constant 0 : i32
    %dma_start3A_13 = tpu.memref_slice %arg3[%dma_start3A_11, %dma_start3A_12] : memref<100000x32xf32, #tpu.memory_space<hbm>> -> memref<100000x32xf32, #tpu.memory_space<hbm>>
    tpu.enqueue_indirect_dma source(%dma_start3A_13 : memref<100000x32xf32, #tpu.memory_space<hbm>>) target(%dma_start3A_8 : memref<128x32xf32, #tpu.memory_space<vmem>>) offsets(%dma_start3A_10 : memref<128xi32, #tpu.memory_space<vmem>>) semaphore(%arg9 : memref<!tpu.dma_semaphore, #tpu.memory_space<semaphore_mem>>)
    %dma_start3A_14 = arith.constant 128 : i32
    %dma_start3A_15 = arith.constant 0 : i32
    %dma_start3A_16 = tpu.memref_slice %arg7[%dma_start3A_14, %dma_start3A_15] : memref<512x32xf32, #tpu.memory_space<vmem>> -> memref<128x32xf32, #tpu.memory_space<vmem>>
    %dma_start3A_17 = arith.constant 128 : i32
    %dma_start3A_18 = tpu.memref_slice %arg6[%dma_start3A_17] : memref<512xi32, #tpu.memory_space<vmem>> -> memref<128xi32, #tpu.memory_space<vmem>>
    %dma_start3A_19 = arith.constant 0 : i32
    %dma_start3A_20 = arith.constant 0 : i32
    %dma_start3A_21 = tpu.memref_slice %arg3[%dma_start3A_19, %dma_start3A_20] : memref<100000x32xf32, #tpu.memory_space<hbm>> -> memref<100000x32xf32, #tpu.memory_space<hbm>>
    tpu.enqueue_indirect_dma source(%dma_start3A_21 : memref<100000x32xf32, #tpu.memory_space<hbm>>) target(%dma_start3A_16 : memref<128x32xf32, #tpu.memory_space<vmem>>) offsets(%dma_start3A_18 : memref<128xi32, #tpu.memory_space<vmem>>) semaphore(%arg9 : memref<!tpu.dma_semaphore, #tpu.memory_space<semaphore_mem>>)
    %dma_start3A_22 = arith.constant 256 : i32
    %dma_start3A_23 = arith.constant 0 : i32
    %dma_start3A_24 = tpu.memref_slice %arg7[%dma_start3A_22, %dma_start3A_23] : memref<512x32xf32, #tpu.memory_space<vmem>> -> memref<128x32xf32, #tpu.memory_space<vmem>>
    %dma_start3A_25 = arith.constant 256 : i32
    %dma_start3A_26 = tpu.memref_slice %arg6[%dma_start3A_25] : memref<512xi32, #tpu.memory_space<vmem>> -> memref<128xi32, #tpu.memory_space<vmem>>
    %dma_start3A_27 = arith.constant 0 : i32
    %dma_start3A_28 = arith.constant 0 : i32
    %dma_start3A_29 = tpu.memref_slice %arg3[%dma_start3A_27, %dma_start3A_28] : memref<100000x32xf32, #tpu.memory_space<hbm>> -> memref<100000x32xf32, #tpu.memory_space<hbm>>
    tpu.enqueue_indirect_dma source(%dma_start3A_29 : memref<100000x32xf32, #tpu.memory_space<hbm>>) target(%dma_start3A_24 : memref<128x32xf32, #tpu.memory_space<vmem>>) offsets(%dma_start3A_26 : memref<128xi32, #tpu.memory_space<vmem>>) semaphore(%arg9 : memref<!tpu.dma_semaphore, #tpu.memory_space<semaphore_mem>>)
    %dma_start3A_30 = arith.constant 384 : i32
    %dma_start3A_31 = arith.constant 0 : i32
    %dma_start3A_32 = tpu.memref_slice %arg7[%dma_start3A_30, %dma_start3A_31] : memref<512x32xf32, #tpu.memory_space<vmem>> -> memref<128x32xf32, #tpu.memory_space<vmem>>
    %dma_start3A_33 = arith.constant 384 : i32
    %dma_start3A_34 = tpu.memref_slice %arg6[%dma_start3A_33] : memref<512xi32, #tpu.memory_space<vmem>> -> memref<128xi32, #tpu.memory_space<vmem>>
    %dma_start3A_35 = arith.constant 0 : i32
    %dma_start3A_36 = arith.constant 0 : i32
    %dma_start3A_37 = tpu.memref_slice %arg3[%dma_start3A_35, %dma_start3A_36] : memref<100000x32xf32, #tpu.memory_space<hbm>> -> memref<100000x32xf32, #tpu.memory_space<hbm>>
    tpu.enqueue_indirect_dma source(%dma_start3A_37 : memref<100000x32xf32, #tpu.memory_space<hbm>>) target(%dma_start3A_32 : memref<128x32xf32, #tpu.memory_space<vmem>>) offsets(%dma_start3A_34 : memref<128xi32, #tpu.memory_space<vmem>>) semaphore(%arg9 : memref<!tpu.dma_semaphore, #tpu.memory_space<semaphore_mem>>)
    %dma_wait3A = arith.constant 0 : i32
    %dma_wait3A_38 = tpu.memref_slice %arg4[%mul3A_2, %dma_wait3A] : memref<16384x96xf32, #tpu.memory_space<hbm>> -> memref<512x96xf32, #tpu.memory_space<hbm>>
    %dma_wait3A_39 = arith.constant 0 : i32
    %dma_wait3A_40 = tpu.memref_slice %arg4[%mul3A_2, %dma_wait3A_39] : memref<16384x96xf32, #tpu.memory_space<hbm>> -> memref<512x96xf32, #tpu.memory_space<hbm>>
    tpu.wait_dma2 semaphore(%arg10 : memref<!tpu.dma_semaphore, #tpu.memory_space<semaphore_mem>>) src(%dma_wait3A_40 : memref<512x96xf32, #tpu.memory_space<hbm>>) dst(%arg8 : memref<512x96xf32, #tpu.memory_space<vmem>>)
    %dma_start3A_41 = arith.constant 0 : i32
    %dma_start3A_42 = tpu.memref_slice %arg5[%mul3A_2, %dma_start3A_41] : memref<16384x128xf32, #tpu.memory_space<hbm>> -> memref<512x96xf32, #tpu.memory_space<hbm>>
    %dma_start3A_43 = arith.constant 0 : i32
    %dma_start3A_44 = tpu.memref_slice %arg5[%mul3A_2, %dma_start3A_43] : memref<16384x128xf32, #tpu.memory_space<hbm>> -> memref<512x96xf32, #tpu.memory_space<hbm>>
    tpu.enqueue_dma source(%arg8 : memref<512x96xf32, #tpu.memory_space<vmem>>) target(%dma_start3A_44 : memref<512x96xf32, #tpu.memory_space<hbm>>) target_semaphore(%arg10 : memref<!tpu.dma_semaphore, #tpu.memory_space<semaphore_mem>>)
    %dma_wait3A_45 = arith.constant 0 : i32
    %dma_wait3A_46 = arith.constant 0 : i32
    %dma_wait3A_47 = tpu.memref_slice %arg7[%dma_wait3A_45, %dma_wait3A_46] : memref<512x32xf32, #tpu.memory_space<vmem>> -> memref<128x32xf32, #tpu.memory_space<vmem>>
    %dma_wait3A_48 = arith.constant 0 : i32
    %dma_wait3A_49 = tpu.memref_slice %arg6[%dma_wait3A_48] : memref<512xi32, #tpu.memory_space<vmem>> -> memref<128xi32, #tpu.memory_space<vmem>>
    %dma_wait3A_50 = arith.constant 0 : i32
    %dma_wait3A_51 = arith.constant 0 : i32
    %dma_wait3A_52 = tpu.memref_slice %arg3[%dma_wait3A_50, %dma_wait3A_51] : memref<100000x32xf32, #tpu.memory_space<hbm>> -> memref<100000x32xf32, #tpu.memory_space<hbm>>
    tpu.wait_indirect_dma semaphore(%arg9 : memref<!tpu.dma_semaphore, #tpu.memory_space<semaphore_mem>>) src(%dma_wait3A_52 : memref<100000x32xf32, #tpu.memory_space<hbm>>) dst(%dma_wait3A_47 : memref<128x32xf32, #tpu.memory_space<vmem>>)
    %dma_wait3A_53 = arith.constant 128 : i32
    %dma_wait3A_54 = arith.constant 0 : i32
    %dma_wait3A_55 = tpu.memref_slice %arg7[%dma_wait3A_53, %dma_wait3A_54] : memref<512x32xf32, #tpu.memory_space<vmem>> -> memref<128x32xf32, #tpu.memory_space<vmem>>
    %dma_wait3A_56 = arith.constant 128 : i32
    %dma_wait3A_57 = tpu.memref_slice %arg6[%dma_wait3A_56] : memref<512xi32, #tpu.memory_space<vmem>> -> memref<128xi32, #tpu.memory_space<vmem>>
    %dma_wait3A_58 = arith.constant 0 : i32
    %dma_wait3A_59 = arith.constant 0 : i32
    %dma_wait3A_60 = tpu.memref_slice %arg3[%dma_wait3A_58, %dma_wait3A_59] : memref<100000x32xf32, #tpu.memory_space<hbm>> -> memref<100000x32xf32, #tpu.memory_space<hbm>>
    tpu.wait_indirect_dma semaphore(%arg9 : memref<!tpu.dma_semaphore, #tpu.memory_space<semaphore_mem>>) src(%dma_wait3A_60 : memref<100000x32xf32, #tpu.memory_space<hbm>>) dst(%dma_wait3A_55 : memref<128x32xf32, #tpu.memory_space<vmem>>)
    %dma_wait3A_61 = arith.constant 256 : i32
    %dma_wait3A_62 = arith.constant 0 : i32
    %dma_wait3A_63 = tpu.memref_slice %arg7[%dma_wait3A_61, %dma_wait3A_62] : memref<512x32xf32, #tpu.memory_space<vmem>> -> memref<128x32xf32, #tpu.memory_space<vmem>>
    %dma_wait3A_64 = arith.constant 256 : i32
    %dma_wait3A_65 = tpu.memref_slice %arg6[%dma_wait3A_64] : memref<512xi32, #tpu.memory_space<vmem>> -> memref<128xi32, #tpu.memory_space<vmem>>
    %dma_wait3A_66 = arith.constant 0 : i32
    %dma_wait3A_67 = arith.constant 0 : i32
    %dma_wait3A_68 = tpu.memref_slice %arg3[%dma_wait3A_66, %dma_wait3A_67] : memref<100000x32xf32, #tpu.memory_space<hbm>> -> memref<100000x32xf32, #tpu.memory_space<hbm>>
    tpu.wait_indirect_dma semaphore(%arg9 : memref<!tpu.dma_semaphore, #tpu.memory_space<semaphore_mem>>) src(%dma_wait3A_68 : memref<100000x32xf32, #tpu.memory_space<hbm>>) dst(%dma_wait3A_63 : memref<128x32xf32, #tpu.memory_space<vmem>>)
    %dma_wait3A_69 = arith.constant 384 : i32
    %dma_wait3A_70 = arith.constant 0 : i32
    %dma_wait3A_71 = tpu.memref_slice %arg7[%dma_wait3A_69, %dma_wait3A_70] : memref<512x32xf32, #tpu.memory_space<vmem>> -> memref<128x32xf32, #tpu.memory_space<vmem>>
    %dma_wait3A_72 = arith.constant 384 : i32
    %dma_wait3A_73 = tpu.memref_slice %arg6[%dma_wait3A_72] : memref<512xi32, #tpu.memory_space<vmem>> -> memref<128xi32, #tpu.memory_space<vmem>>
    %dma_wait3A_74 = arith.constant 0 : i32
    %dma_wait3A_75 = arith.constant 0 : i32
    %dma_wait3A_76 = tpu.memref_slice %arg3[%dma_wait3A_74, %dma_wait3A_75] : memref<100000x32xf32, #tpu.memory_space<hbm>> -> memref<100000x32xf32, #tpu.memory_space<hbm>>
    tpu.wait_indirect_dma semaphore(%arg9 : memref<!tpu.dma_semaphore, #tpu.memory_space<semaphore_mem>>) src(%dma_wait3A_76 : memref<100000x32xf32, #tpu.memory_space<hbm>>) dst(%dma_wait3A_71 : memref<128x32xf32, #tpu.memory_space<vmem>>)
    %dma_start3A_77 = arith.constant 96 : i32
    %dma_start3A_78 = tpu.memref_slice %arg5[%mul3A_2, %dma_start3A_77] : memref<16384x128xf32, #tpu.memory_space<hbm>> -> memref<512x32xf32, #tpu.memory_space<hbm>>
    %dma_start3A_79 = arith.constant 96 : i32
    %dma_start3A_80 = tpu.memref_slice %arg5[%mul3A_2, %dma_start3A_79] : memref<16384x128xf32, #tpu.memory_space<hbm>> -> memref<512x32xf32, #tpu.memory_space<hbm>>
    tpu.enqueue_dma source(%arg7 : memref<512x32xf32, #tpu.memory_space<vmem>>) target(%dma_start3A_80 : memref<512x32xf32, #tpu.memory_space<hbm>>) target_semaphore(%arg10 : memref<!tpu.dma_semaphore, #tpu.memory_space<semaphore_mem>>)
    %dma_wait3A_81 = arith.constant 0 : i32
    %dma_wait3A_82 = tpu.memref_slice %arg5[%mul3A_2, %dma_wait3A_81] : memref<16384x128xf32, #tpu.memory_space<hbm>> -> memref<512x96xf32, #tpu.memory_space<hbm>>
    %dma_wait3A_83 = arith.constant 0 : i32
    %dma_wait3A_84 = tpu.memref_slice %arg5[%mul3A_2, %dma_wait3A_83] : memref<16384x128xf32, #tpu.memory_space<hbm>> -> memref<512x96xf32, #tpu.memory_space<hbm>>
    tpu.wait_dma2 semaphore(%arg10 : memref<!tpu.dma_semaphore, #tpu.memory_space<semaphore_mem>>) src(%arg8 : memref<512x96xf32, #tpu.memory_space<vmem>>) dst(%dma_wait3A_84 : memref<512x96xf32, #tpu.memory_space<hbm>>)
    %dma_wait3A_85 = arith.constant 96 : i32
    %dma_wait3A_86 = tpu.memref_slice %arg5[%mul3A_2, %dma_wait3A_85] : memref<16384x128xf32, #tpu.memory_space<hbm>> -> memref<512x32xf32, #tpu.memory_space<hbm>>
    %dma_wait3A_87 = arith.constant 96 : i32
    %dma_wait3A_88 = tpu.memref_slice %arg5[%mul3A_2, %dma_wait3A_87] : memref<16384x128xf32, #tpu.memory_space<hbm>> -> memref<512x32xf32, #tpu.memory_space<hbm>>
    tpu.wait_dma2 semaphore(%arg10 : memref<!tpu.dma_semaphore, #tpu.memory_space<semaphore_mem>>) src(%arg7 : memref<512x32xf32, #tpu.memory_space<vmem>>) dst(%dma_wait3A_88 : memref<512x32xf32, #tpu.memory_space<hbm>>)
    return
  }
}

#map = affine_map<(d0, d1) -> (0)>
#map1 = affine_map<(d0, d1) -> (0, 0)>
module attributes {stable_mosaic.version = 14 : i64} {
  func.func @_small_kernel(%arg0: i32, %arg1: i32, %arg2: memref<16384xi32, #tpu.memory_space<hbm>>, %arg3: memref<16384xi32, #tpu.memory_space<hbm>>, %arg4: memref<16384xi32, #tpu.memory_space<hbm>>, %arg5: memref<2x32xf32, #tpu.memory_space<hbm>>, %arg6: memref<7x32xf32, #tpu.memory_space<hbm>>, %arg7: memref<21x32xf32, #tpu.memory_space<hbm>>, %arg8: memref<16384x96xf32, #tpu.memory_space<hbm>>, %arg9: memref<3x512xi32, #tpu.memory_space<vmem>>, %arg10: memref<32x32xf32, #tpu.memory_space<vmem>>, %arg11: memref<32x32xf32, #tpu.memory_space<vmem>>, %arg12: memref<32x32xf32, #tpu.memory_space<vmem>>, %arg13: memref<512x96xf32, #tpu.memory_space<vmem>>, %arg14: memref<!tpu.dma_semaphore, #tpu.memory_space<semaphore_mem>>) attributes {dimension_semantics = [#tpu.dimension_semantics<core_parallel>, #tpu.dimension_semantics<subcore_parallel>], iteration_bounds = array<i64: 2, 16>, scalar_prefetch = 0 : i64, scratch_operands = 6 : i64, tpu.core_type = #tpu.core_type<sc_vector_subcore>, window_params = [{transform_indices = #map}, {transform_indices = #map}, {transform_indices = #map}, {transform_indices = #map1}, {transform_indices = #map1}, {transform_indices = #map1}, {transform_indices = #map1}]} {
    %mul3A = arith.constant 2 : i32
    %mul3A_0 = arith.muli %arg1, %mul3A : i32
    %add3A = arith.addi %mul3A_0, %arg0 : i32
    %mul3A_1 = arith.constant 512 : i32
    %mul3A_2 = arith.muli %add3A, %mul3A_1 : i32
    %dma_start3A = arith.constant 0 : i32
    %dma_start3A_3 = arith.constant 0 : i32
    %dma_start3A_4 = tpu.memref_slice %arg9[%dma_start3A, %dma_start3A_3] : memref<3x512xi32, #tpu.memory_space<vmem>> -> memref<1x512xi32, #tpu.memory_space<vmem>>
    %dma_start3A_5 = tpu.memref_squeeze %dma_start3A_4 : memref<1x512xi32, #tpu.memory_space<vmem>> -> memref<512xi32, #tpu.memory_space<vmem>>
    %dma_start3A_6 = tpu.memref_slice %arg2[%mul3A_2] : memref<16384xi32, #tpu.memory_space<hbm>> -> memref<512xi32, #tpu.memory_space<hbm>>
    %dma_start3A_7 = arith.constant 0 : i32
    %dma_start3A_8 = tpu.memref_slice %arg9[%dma_start3A, %dma_start3A_7] : memref<3x512xi32, #tpu.memory_space<vmem>> -> memref<1x512xi32, #tpu.memory_space<vmem>>
    %dma_start3A_9 = tpu.memref_squeeze %dma_start3A_8 : memref<1x512xi32, #tpu.memory_space<vmem>> -> memref<512xi32, #tpu.memory_space<vmem>>
    %dma_start3A_10 = tpu.memref_slice %arg2[%mul3A_2] : memref<16384xi32, #tpu.memory_space<hbm>> -> memref<512xi32, #tpu.memory_space<hbm>>
    tpu.enqueue_dma source(%dma_start3A_10 : memref<512xi32, #tpu.memory_space<hbm>>) target(%dma_start3A_9 : memref<512xi32, #tpu.memory_space<vmem>>) target_semaphore(%arg14 : memref<!tpu.dma_semaphore, #tpu.memory_space<semaphore_mem>>)
    %dma_start3A_11 = arith.constant 1 : i32
    %dma_start3A_12 = arith.constant 0 : i32
    %dma_start3A_13 = tpu.memref_slice %arg9[%dma_start3A_11, %dma_start3A_12] : memref<3x512xi32, #tpu.memory_space<vmem>> -> memref<1x512xi32, #tpu.memory_space<vmem>>
    %dma_start3A_14 = tpu.memref_squeeze %dma_start3A_13 : memref<1x512xi32, #tpu.memory_space<vmem>> -> memref<512xi32, #tpu.memory_space<vmem>>
    %dma_start3A_15 = tpu.memref_slice %arg3[%mul3A_2] : memref<16384xi32, #tpu.memory_space<hbm>> -> memref<512xi32, #tpu.memory_space<hbm>>
    %dma_start3A_16 = arith.constant 0 : i32
    %dma_start3A_17 = tpu.memref_slice %arg9[%dma_start3A_11, %dma_start3A_16] : memref<3x512xi32, #tpu.memory_space<vmem>> -> memref<1x512xi32, #tpu.memory_space<vmem>>
    %dma_start3A_18 = tpu.memref_squeeze %dma_start3A_17 : memref<1x512xi32, #tpu.memory_space<vmem>> -> memref<512xi32, #tpu.memory_space<vmem>>
    %dma_start3A_19 = tpu.memref_slice %arg3[%mul3A_2] : memref<16384xi32, #tpu.memory_space<hbm>> -> memref<512xi32, #tpu.memory_space<hbm>>
    tpu.enqueue_dma source(%dma_start3A_19 : memref<512xi32, #tpu.memory_space<hbm>>) target(%dma_start3A_18 : memref<512xi32, #tpu.memory_space<vmem>>) target_semaphore(%arg14 : memref<!tpu.dma_semaphore, #tpu.memory_space<semaphore_mem>>)
    %dma_start3A_20 = arith.constant 2 : i32
    %dma_start3A_21 = arith.constant 0 : i32
    %dma_start3A_22 = tpu.memref_slice %arg9[%dma_start3A_20, %dma_start3A_21] : memref<3x512xi32, #tpu.memory_space<vmem>> -> memref<1x512xi32, #tpu.memory_space<vmem>>
    %dma_start3A_23 = tpu.memref_squeeze %dma_start3A_22 : memref<1x512xi32, #tpu.memory_space<vmem>> -> memref<512xi32, #tpu.memory_space<vmem>>
    %dma_start3A_24 = tpu.memref_slice %arg4[%mul3A_2] : memref<16384xi32, #tpu.memory_space<hbm>> -> memref<512xi32, #tpu.memory_space<hbm>>
    %dma_start3A_25 = arith.constant 0 : i32
    %dma_start3A_26 = tpu.memref_slice %arg9[%dma_start3A_20, %dma_start3A_25] : memref<3x512xi32, #tpu.memory_space<vmem>> -> memref<1x512xi32, #tpu.memory_space<vmem>>
    %dma_start3A_27 = tpu.memref_squeeze %dma_start3A_26 : memref<1x512xi32, #tpu.memory_space<vmem>> -> memref<512xi32, #tpu.memory_space<vmem>>
    %dma_start3A_28 = tpu.memref_slice %arg4[%mul3A_2] : memref<16384xi32, #tpu.memory_space<hbm>> -> memref<512xi32, #tpu.memory_space<hbm>>
    tpu.enqueue_dma source(%dma_start3A_28 : memref<512xi32, #tpu.memory_space<hbm>>) target(%dma_start3A_27 : memref<512xi32, #tpu.memory_space<vmem>>) target_semaphore(%arg14 : memref<!tpu.dma_semaphore, #tpu.memory_space<semaphore_mem>>)
    %dma_start3A_29 = arith.constant 0 : i32
    %dma_start3A_30 = arith.constant 0 : i32
    %dma_start3A_31 = tpu.memref_slice %arg10[%dma_start3A_29, %dma_start3A_30] : memref<32x32xf32, #tpu.memory_space<vmem>> -> memref<2x32xf32, #tpu.memory_space<vmem>>
    %dma_start3A_32 = arith.constant 0 : i32
    %dma_start3A_33 = arith.constant 0 : i32
    %dma_start3A_34 = tpu.memref_slice %arg10[%dma_start3A_32, %dma_start3A_33] : memref<32x32xf32, #tpu.memory_space<vmem>> -> memref<2x32xf32, #tpu.memory_space<vmem>>
    tpu.enqueue_dma source(%arg5 : memref<2x32xf32, #tpu.memory_space<hbm>>) target(%dma_start3A_34 : memref<2x32xf32, #tpu.memory_space<vmem>>) target_semaphore(%arg14 : memref<!tpu.dma_semaphore, #tpu.memory_space<semaphore_mem>>)
    %dma_start3A_35 = arith.constant 0 : i32
    %dma_start3A_36 = arith.constant 0 : i32
    %dma_start3A_37 = tpu.memref_slice %arg11[%dma_start3A_35, %dma_start3A_36] : memref<32x32xf32, #tpu.memory_space<vmem>> -> memref<7x32xf32, #tpu.memory_space<vmem>>
    %dma_start3A_38 = arith.constant 0 : i32
    %dma_start3A_39 = arith.constant 0 : i32
    %dma_start3A_40 = tpu.memref_slice %arg11[%dma_start3A_38, %dma_start3A_39] : memref<32x32xf32, #tpu.memory_space<vmem>> -> memref<7x32xf32, #tpu.memory_space<vmem>>
    tpu.enqueue_dma source(%arg6 : memref<7x32xf32, #tpu.memory_space<hbm>>) target(%dma_start3A_40 : memref<7x32xf32, #tpu.memory_space<vmem>>) target_semaphore(%arg14 : memref<!tpu.dma_semaphore, #tpu.memory_space<semaphore_mem>>)
    %dma_start3A_41 = arith.constant 0 : i32
    %dma_start3A_42 = arith.constant 0 : i32
    %dma_start3A_43 = tpu.memref_slice %arg12[%dma_start3A_41, %dma_start3A_42] : memref<32x32xf32, #tpu.memory_space<vmem>> -> memref<21x32xf32, #tpu.memory_space<vmem>>
    %dma_start3A_44 = arith.constant 0 : i32
    %dma_start3A_45 = arith.constant 0 : i32
    %dma_start3A_46 = tpu.memref_slice %arg12[%dma_start3A_44, %dma_start3A_45] : memref<32x32xf32, #tpu.memory_space<vmem>> -> memref<21x32xf32, #tpu.memory_space<vmem>>
    tpu.enqueue_dma source(%arg7 : memref<21x32xf32, #tpu.memory_space<hbm>>) target(%dma_start3A_46 : memref<21x32xf32, #tpu.memory_space<vmem>>) target_semaphore(%arg14 : memref<!tpu.dma_semaphore, #tpu.memory_space<semaphore_mem>>)
    %dma_wait3A = arith.constant 0 : i32
    %dma_wait3A_47 = arith.constant 0 : i32
    %dma_wait3A_48 = tpu.memref_slice %arg9[%dma_wait3A, %dma_wait3A_47] : memref<3x512xi32, #tpu.memory_space<vmem>> -> memref<1x512xi32, #tpu.memory_space<vmem>>
    %dma_wait3A_49 = tpu.memref_squeeze %dma_wait3A_48 : memref<1x512xi32, #tpu.memory_space<vmem>> -> memref<512xi32, #tpu.memory_space<vmem>>
    %dma_wait3A_50 = tpu.memref_slice %arg2[%mul3A_2] : memref<16384xi32, #tpu.memory_space<hbm>> -> memref<512xi32, #tpu.memory_space<hbm>>
    %dma_wait3A_51 = arith.constant 0 : i32
    %dma_wait3A_52 = tpu.memref_slice %arg9[%dma_wait3A, %dma_wait3A_51] : memref<3x512xi32, #tpu.memory_space<vmem>> -> memref<1x512xi32, #tpu.memory_space<vmem>>
    %dma_wait3A_53 = tpu.memref_squeeze %dma_wait3A_52 : memref<1x512xi32, #tpu.memory_space<vmem>> -> memref<512xi32, #tpu.memory_space<vmem>>
    %dma_wait3A_54 = tpu.memref_slice %arg2[%mul3A_2] : memref<16384xi32, #tpu.memory_space<hbm>> -> memref<512xi32, #tpu.memory_space<hbm>>
    tpu.wait_dma2 semaphore(%arg14 : memref<!tpu.dma_semaphore, #tpu.memory_space<semaphore_mem>>) src(%dma_wait3A_54 : memref<512xi32, #tpu.memory_space<hbm>>) dst(%dma_wait3A_53 : memref<512xi32, #tpu.memory_space<vmem>>)
    %dma_wait3A_55 = arith.constant 1 : i32
    %dma_wait3A_56 = arith.constant 0 : i32
    %dma_wait3A_57 = tpu.memref_slice %arg9[%dma_wait3A_55, %dma_wait3A_56] : memref<3x512xi32, #tpu.memory_space<vmem>> -> memref<1x512xi32, #tpu.memory_space<vmem>>
    %dma_wait3A_58 = tpu.memref_squeeze %dma_wait3A_57 : memref<1x512xi32, #tpu.memory_space<vmem>> -> memref<512xi32, #tpu.memory_space<vmem>>
    %dma_wait3A_59 = tpu.memref_slice %arg3[%mul3A_2] : memref<16384xi32, #tpu.memory_space<hbm>> -> memref<512xi32, #tpu.memory_space<hbm>>
    %dma_wait3A_60 = arith.constant 0 : i32
    %dma_wait3A_61 = tpu.memref_slice %arg9[%dma_wait3A_55, %dma_wait3A_60] : memref<3x512xi32, #tpu.memory_space<vmem>> -> memref<1x512xi32, #tpu.memory_space<vmem>>
    %dma_wait3A_62 = tpu.memref_squeeze %dma_wait3A_61 : memref<1x512xi32, #tpu.memory_space<vmem>> -> memref<512xi32, #tpu.memory_space<vmem>>
    %dma_wait3A_63 = tpu.memref_slice %arg3[%mul3A_2] : memref<16384xi32, #tpu.memory_space<hbm>> -> memref<512xi32, #tpu.memory_space<hbm>>
    tpu.wait_dma2 semaphore(%arg14 : memref<!tpu.dma_semaphore, #tpu.memory_space<semaphore_mem>>) src(%dma_wait3A_63 : memref<512xi32, #tpu.memory_space<hbm>>) dst(%dma_wait3A_62 : memref<512xi32, #tpu.memory_space<vmem>>)
    %dma_wait3A_64 = arith.constant 2 : i32
    %dma_wait3A_65 = arith.constant 0 : i32
    %dma_wait3A_66 = tpu.memref_slice %arg9[%dma_wait3A_64, %dma_wait3A_65] : memref<3x512xi32, #tpu.memory_space<vmem>> -> memref<1x512xi32, #tpu.memory_space<vmem>>
    %dma_wait3A_67 = tpu.memref_squeeze %dma_wait3A_66 : memref<1x512xi32, #tpu.memory_space<vmem>> -> memref<512xi32, #tpu.memory_space<vmem>>
    %dma_wait3A_68 = tpu.memref_slice %arg4[%mul3A_2] : memref<16384xi32, #tpu.memory_space<hbm>> -> memref<512xi32, #tpu.memory_space<hbm>>
    %dma_wait3A_69 = arith.constant 0 : i32
    %dma_wait3A_70 = tpu.memref_slice %arg9[%dma_wait3A_64, %dma_wait3A_69] : memref<3x512xi32, #tpu.memory_space<vmem>> -> memref<1x512xi32, #tpu.memory_space<vmem>>
    %dma_wait3A_71 = tpu.memref_squeeze %dma_wait3A_70 : memref<1x512xi32, #tpu.memory_space<vmem>> -> memref<512xi32, #tpu.memory_space<vmem>>
    %dma_wait3A_72 = tpu.memref_slice %arg4[%mul3A_2] : memref<16384xi32, #tpu.memory_space<hbm>> -> memref<512xi32, #tpu.memory_space<hbm>>
    tpu.wait_dma2 semaphore(%arg14 : memref<!tpu.dma_semaphore, #tpu.memory_space<semaphore_mem>>) src(%dma_wait3A_72 : memref<512xi32, #tpu.memory_space<hbm>>) dst(%dma_wait3A_71 : memref<512xi32, #tpu.memory_space<vmem>>)
    %dma_wait3A_73 = arith.constant 0 : i32
    %dma_wait3A_74 = arith.constant 0 : i32
    %dma_wait3A_75 = tpu.memref_slice %arg10[%dma_wait3A_73, %dma_wait3A_74] : memref<32x32xf32, #tpu.memory_space<vmem>> -> memref<2x32xf32, #tpu.memory_space<vmem>>
    %dma_wait3A_76 = arith.constant 0 : i32
    %dma_wait3A_77 = arith.constant 0 : i32
    %dma_wait3A_78 = tpu.memref_slice %arg10[%dma_wait3A_76, %dma_wait3A_77] : memref<32x32xf32, #tpu.memory_space<vmem>> -> memref<2x32xf32, #tpu.memory_space<vmem>>
    tpu.wait_dma2 semaphore(%arg14 : memref<!tpu.dma_semaphore, #tpu.memory_space<semaphore_mem>>) src(%arg5 : memref<2x32xf32, #tpu.memory_space<hbm>>) dst(%dma_wait3A_78 : memref<2x32xf32, #tpu.memory_space<vmem>>)
    %dma_wait3A_79 = arith.constant 0 : i32
    %dma_wait3A_80 = arith.constant 0 : i32
    %dma_wait3A_81 = tpu.memref_slice %arg11[%dma_wait3A_79, %dma_wait3A_80] : memref<32x32xf32, #tpu.memory_space<vmem>> -> memref<7x32xf32, #tpu.memory_space<vmem>>
    %dma_wait3A_82 = arith.constant 0 : i32
    %dma_wait3A_83 = arith.constant 0 : i32
    %dma_wait3A_84 = tpu.memref_slice %arg11[%dma_wait3A_82, %dma_wait3A_83] : memref<32x32xf32, #tpu.memory_space<vmem>> -> memref<7x32xf32, #tpu.memory_space<vmem>>
    tpu.wait_dma2 semaphore(%arg14 : memref<!tpu.dma_semaphore, #tpu.memory_space<semaphore_mem>>) src(%arg6 : memref<7x32xf32, #tpu.memory_space<hbm>>) dst(%dma_wait3A_84 : memref<7x32xf32, #tpu.memory_space<vmem>>)
    %dma_wait3A_85 = arith.constant 0 : i32
    %dma_wait3A_86 = arith.constant 0 : i32
    %dma_wait3A_87 = tpu.memref_slice %arg12[%dma_wait3A_85, %dma_wait3A_86] : memref<32x32xf32, #tpu.memory_space<vmem>> -> memref<21x32xf32, #tpu.memory_space<vmem>>
    %dma_wait3A_88 = arith.constant 0 : i32
    %dma_wait3A_89 = arith.constant 0 : i32
    %dma_wait3A_90 = tpu.memref_slice %arg12[%dma_wait3A_88, %dma_wait3A_89] : memref<32x32xf32, #tpu.memory_space<vmem>> -> memref<21x32xf32, #tpu.memory_space<vmem>>
    tpu.wait_dma2 semaphore(%arg14 : memref<!tpu.dma_semaphore, #tpu.memory_space<semaphore_mem>>) src(%arg7 : memref<21x32xf32, #tpu.memory_space<hbm>>) dst(%dma_wait3A_90 : memref<21x32xf32, #tpu.memory_space<vmem>>)
    %scan3A = arith.constant 0 : i32
    %scan3A_91 = arith.constant 0 : i32
    %scan3A_92 = arith.constant 32 : i32
    %scan3A_93 = arith.addi %scan3A_91, %scan3A_92 : i32
    %scan3A_94 = arith.constant 1 : i32
    scf.for %scan3A_96 = %scan3A_91 to %scan3A_93 step %scan3A_94  : i32 {
      %mul3A_97 = arith.constant 16 : i32
      %mul3A_98 = arith.muli %scan3A_96, %mul3A_97 : i32
      %get3A = arith.constant 0 : i32
      %get3A_99 = arith.index_cast %get3A : i32 to index
      %get3A_100 = arith.index_cast %mul3A_98 : i32 to index
      %get3A_101 = tpu.vector_load %arg9[%get3A_99, %get3A_100] {strides = array<i32>} : memref<3x512xi32, #tpu.memory_space<vmem>>, vector<16xi32>,
      %slice3A = vector.extract_strided_slice %get3A_101 {offsets = [0], sizes = [1], strides = [1]} : vector<16xi32> to vector<1xi32>
      %squeeze3A = vector.extract %slice3A[0] : i32 from vector<1xi32>
      %add3A_102 = arith.constant 0 : i32
      %add3A_103 = arith.addi %mul3A_98, %add3A_102 : i32
      %get3A_104 = arith.index_cast %squeeze3A : i32 to index
      %get3A_105 = arith.constant 0 : index
      %get3A_106 = tpu.vector_load %arg10[%get3A_104, %get3A_105] {strides = array<i32>} : memref<32x32xf32, #tpu.memory_space<vmem>>, vector<16xf32>,
      %swap3A = arith.index_cast %add3A_103 : i32 to index
      %swap3A_107 = arith.constant 0 : index
      %swap3A_108 = tpu.vector_load %arg13[%swap3A, %swap3A_107] {strides = array<i32>} : memref<512x96xf32, #tpu.memory_space<vmem>>, vector<16xf32>,
      tpu.vector_store %arg13[%swap3A, %swap3A_107], %get3A_106 {strides = array<i32>} : memref<512x96xf32, #tpu.memory_space<vmem>>, vector<16xf32>,
      %get3A_109 = arith.index_cast %squeeze3A : i32 to index
      %get3A_110 = arith.constant 16 : index
      %get3A_111 = tpu.vector_load %arg10[%get3A_109, %get3A_110] {strides = array<i32>} : memref<32x32xf32, #tpu.memory_space<vmem>>, vector<16xf32>,
      %swap3A_112 = arith.index_cast %add3A_103 : i32 to index
      %swap3A_113 = arith.constant 16 : index
      %swap3A_114 = tpu.vector_load %arg13[%swap3A_112, %swap3A_113] {strides = array<i32>} : memref<512x96xf32, #tpu.memory_space<vmem>>, vector<16xf32>,
      tpu.vector_store %arg13[%swap3A_112, %swap3A_113], %get3A_111 {strides = array<i32>} : memref<512x96xf32, #tpu.memory_space<vmem>>, vector<16xf32>,
      %slice3A_115 = vector.extract_strided_slice %get3A_101 {offsets = [1], sizes = [1], strides = [1]} : vector<16xi32> to vector<1xi32>
      %squeeze3A_116 = vector.extract %slice3A_115[0] : i32 from vector<1xi32>
      %add3A_117 = arith.constant 1 : i32
      %add3A_118 = arith.addi %mul3A_98, %add3A_117 : i32
      %get3A_119 = arith.index_cast %squeeze3A_116 : i32 to index
      %get3A_120 = arith.constant 0 : index
      %get3A_121 = tpu.vector_load %arg10[%get3A_119, %get3A_120] {strides = array<i32>} : memref<32x32xf32, #tpu.memory_space<vmem>>, vector<16xf32>,
      %swap3A_122 = arith.index_cast %add3A_118 : i32 to index
      %swap3A_123 = arith.constant 0 : index
      %swap3A_124 = tpu.vector_load %arg13[%swap3A_122, %swap3A_123] {strides = array<i32>} : memref<512x96xf32, #tpu.memory_space<vmem>>, vector<16xf32>,
      tpu.vector_store %arg13[%swap3A_122, %swap3A_123], %get3A_121 {strides = array<i32>} : memref<512x96xf32, #tpu.memory_space<vmem>>, vector<16xf32>,
      %get3A_125 = arith.index_cast %squeeze3A_116 : i32 to index
      %get3A_126 = arith.constant 16 : index
      %get3A_127 = tpu.vector_load %arg10[%get3A_125, %get3A_126] {strides = array<i32>} : memref<32x32xf32, #tpu.memory_space<vmem>>, vector<16xf32>,
      %swap3A_128 = arith.index_cast %add3A_118 : i32 to index
      %swap3A_129 = arith.constant 16 : index
      %swap3A_130 = tpu.vector_load %arg13[%swap3A_128, %swap3A_129] {strides = array<i32>} : memref<512x96xf32, #tpu.memory_space<vmem>>, vector<16xf32>,
      tpu.vector_store %arg13[%swap3A_128, %swap3A_129], %get3A_127 {strides = array<i32>} : memref<512x96xf32, #tpu.memory_space<vmem>>, vector<16xf32>,
      %slice3A_131 = vector.extract_strided_slice %get3A_101 {offsets = [2], sizes = [1], strides = [1]} : vector<16xi32> to vector<1xi32>
      %squeeze3A_132 = vector.extract %slice3A_131[0] : i32 from vector<1xi32>
      %add3A_133 = arith.constant 2 : i32
      %add3A_134 = arith.addi %mul3A_98, %add3A_133 : i32
      %get3A_135 = arith.index_cast %squeeze3A_132 : i32 to index
      %get3A_136 = arith.constant 0 : index
      %get3A_137 = tpu.vector_load %arg10[%get3A_135, %get3A_136] {strides = array<i32>} : memref<32x32xf32, #tpu.memory_space<vmem>>, vector<16xf32>,
      %swap3A_138 = arith.index_cast %add3A_134 : i32 to index
      %swap3A_139 = arith.constant 0 : index
      %swap3A_140 = tpu.vector_load %arg13[%swap3A_138, %swap3A_139] {strides = array<i32>} : memref<512x96xf32, #tpu.memory_space<vmem>>, vector<16xf32>,
      tpu.vector_store %arg13[%swap3A_138, %swap3A_139], %get3A_137 {strides = array<i32>} : memref<512x96xf32, #tpu.memory_space<vmem>>, vector<16xf32>,
      %get3A_141 = arith.index_cast %squeeze3A_132 : i32 to index
      %get3A_142 = arith.constant 16 : index
      %get3A_143 = tpu.vector_load %arg10[%get3A_141, %get3A_142] {strides = array<i32>} : memref<32x32xf32, #tpu.memory_space<vmem>>, vector<16xf32>,
      %swap3A_144 = arith.index_cast %add3A_134 : i32 to index
      %swap3A_145 = arith.constant 16 : index
      %swap3A_146 = tpu.vector_load %arg13[%swap3A_144, %swap3A_145] {strides = array<i32>} : memref<512x96xf32, #tpu.memory_space<vmem>>, vector<16xf32>,
      tpu.vector_store %arg13[%swap3A_144, %swap3A_145], %get3A_143 {strides = array<i32>} : memref<512x96xf32, #tpu.memory_space<vmem>>, vector<16xf32>,
      %slice3A_147 = vector.extract_strided_slice %get3A_101 {offsets = [3], sizes = [1], strides = [1]} : vector<16xi32> to vector<1xi32>
      %squeeze3A_148 = vector.extract %slice3A_147[0] : i32 from vector<1xi32>
      %add3A_149 = arith.constant 3 : i32
      %add3A_150 = arith.addi %mul3A_98, %add3A_149 : i32
      %get3A_151 = arith.index_cast %squeeze3A_148 : i32 to index
      %get3A_152 = arith.constant 0 : index
      %get3A_153 = tpu.vector_load %arg10[%get3A_151, %get3A_152] {strides = array<i32>} : memref<32x32xf32, #tpu.memory_space<vmem>>, vector<16xf32>,
      %swap3A_154 = arith.index_cast %add3A_150 : i32 to index
      %swap3A_155 = arith.constant 0 : index
      %swap3A_156 = tpu.vector_load %arg13[%swap3A_154, %swap3A_155] {strides = array<i32>} : memref<512x96xf32, #tpu.memory_space<vmem>>, vector<16xf32>,
      tpu.vector_store %arg13[%swap3A_154, %swap3A_155], %get3A_153 {strides = array<i32>} : memref<512x96xf32, #tpu.memory_space<vmem>>, vector<16xf32>,
      %get3A_157 = arith.index_cast %squeeze3A_148 : i32 to index
      %get3A_158 = arith.constant 16 : index
      %get3A_159 = tpu.vector_load %arg10[%get3A_157, %get3A_158] {strides = array<i32>} : memref<32x32xf32, #tpu.memory_space<vmem>>, vector<16xf32>,
      %swap3A_160 = arith.index_cast %add3A_150 : i32 to index
      %swap3A_161 = arith.constant 16 : index
      %swap3A_162 = tpu.vector_load %arg13[%swap3A_160, %swap3A_161] {strides = array<i32>} : memref<512x96xf32, #tpu.memory_space<vmem>>, vector<16xf32>,
      tpu.vector_store %arg13[%swap3A_160, %swap3A_161], %get3A_159 {strides = array<i32>} : memref<512x96xf32, #tpu.memory_space<vmem>>, vector<16xf32>,
      %slice3A_163 = vector.extract_strided_slice %get3A_101 {offsets = [4], sizes = [1], strides = [1]} : vector<16xi32> to vector<1xi32>
      %squeeze3A_164 = vector.extract %slice3A_163[0] : i32 from vector<1xi32>
      %add3A_165 = arith.constant 4 : i32
      %add3A_166 = arith.addi %mul3A_98, %add3A_165 : i32
      %get3A_167 = arith.index_cast %squeeze3A_164 : i32 to index
      %get3A_168 = arith.constant 0 : index
      %get3A_169 = tpu.vector_load %arg10[%get3A_167, %get3A_168] {strides = array<i32>} : memref<32x32xf32, #tpu.memory_space<vmem>>, vector<16xf32>,
      %swap3A_170 = arith.index_cast %add3A_166 : i32 to index
      %swap3A_171 = arith.constant 0 : index
      %swap3A_172 = tpu.vector_load %arg13[%swap3A_170, %swap3A_171] {strides = array<i32>} : memref<512x96xf32, #tpu.memory_space<vmem>>, vector<16xf32>,
      tpu.vector_store %arg13[%swap3A_170, %swap3A_171], %get3A_169 {strides = array<i32>} : memref<512x96xf32, #tpu.memory_space<vmem>>, vector<16xf32>,
      %get3A_173 = arith.index_cast %squeeze3A_164 : i32 to index
      %get3A_174 = arith.constant 16 : index
      %get3A_175 = tpu.vector_load %arg10[%get3A_173, %get3A_174] {strides = array<i32>} : memref<32x32xf32, #tpu.memory_space<vmem>>, vector<16xf32>,
      %swap3A_176 = arith.index_cast %add3A_166 : i32 to index
      %swap3A_177 = arith.constant 16 : index
      %swap3A_178 = tpu.vector_load %arg13[%swap3A_176, %swap3A_177] {strides = array<i32>} : memref<512x96xf32, #tpu.memory_space<vmem>>, vector<16xf32>,
      tpu.vector_store %arg13[%swap3A_176, %swap3A_177], %get3A_175 {strides = array<i32>} : memref<512x96xf32, #tpu.memory_space<vmem>>, vector<16xf32>,
      %slice3A_179 = vector.extract_strided_slice %get3A_101 {offsets = [5], sizes = [1], strides = [1]} : vector<16xi32> to vector<1xi32>
      %squeeze3A_180 = vector.extract %slice3A_179[0] : i32 from vector<1xi32>
      %add3A_181 = arith.constant 5 : i32
      %add3A_182 = arith.addi %mul3A_98, %add3A_181 : i32
      %get3A_183 = arith.index_cast %squeeze3A_180 : i32 to index
      %get3A_184 = arith.constant 0 : index
      %get3A_185 = tpu.vector_load %arg10[%get3A_183, %get3A_184] {strides = array<i32>} : memref<32x32xf32, #tpu.memory_space<vmem>>, vector<16xf32>,
      %swap3A_186 = arith.index_cast %add3A_182 : i32 to index
      %swap3A_187 = arith.constant 0 : index
      %swap3A_188 = tpu.vector_load %arg13[%swap3A_186, %swap3A_187] {strides = array<i32>} : memref<512x96xf32, #tpu.memory_space<vmem>>, vector<16xf32>,
      tpu.vector_store %arg13[%swap3A_186, %swap3A_187], %get3A_185 {strides = array<i32>} : memref<512x96xf32, #tpu.memory_space<vmem>>, vector<16xf32>,
      %get3A_189 = arith.index_cast %squeeze3A_180 : i32 to index
      %get3A_190 = arith.constant 16 : index
      %get3A_191 = tpu.vector_load %arg10[%get3A_189, %get3A_190] {strides = array<i32>} : memref<32x32xf32, #tpu.memory_space<vmem>>, vector<16xf32>,
      %swap3A_192 = arith.index_cast %add3A_182 : i32 to index
      %swap3A_193 = arith.constant 16 : index
      %swap3A_194 = tpu.vector_load %arg13[%swap3A_192, %swap3A_193] {strides = array<i32>} : memref<512x96xf32, #tpu.memory_space<vmem>>, vector<16xf32>,
      tpu.vector_store %arg13[%swap3A_192, %swap3A_193], %get3A_191 {strides = array<i32>} : memref<512x96xf32, #tpu.memory_space<vmem>>, vector<16xf32>,
      %slice3A_195 = vector.extract_strided_slice %get3A_101 {offsets = [6], sizes = [1], strides = [1]} : vector<16xi32> to vector<1xi32>
      %squeeze3A_196 = vector.extract %slice3A_195[0] : i32 from vector<1xi32>
      %add3A_197 = arith.constant 6 : i32
      %add3A_198 = arith.addi %mul3A_98, %add3A_197 : i32
      %get3A_199 = arith.index_cast %squeeze3A_196 : i32 to index
      %get3A_200 = arith.constant 0 : index
      %get3A_201 = tpu.vector_load %arg10[%get3A_199, %get3A_200] {strides = array<i32>} : memref<32x32xf32, #tpu.memory_space<vmem>>, vector<16xf32>,
      %swap3A_202 = arith.index_cast %add3A_198 : i32 to index
      %swap3A_203 = arith.constant 0 : index
      %swap3A_204 = tpu.vector_load %arg13[%swap3A_202, %swap3A_203] {strides = array<i32>} : memref<512x96xf32, #tpu.memory_space<vmem>>, vector<16xf32>,
      tpu.vector_store %arg13[%swap3A_202, %swap3A_203], %get3A_201 {strides = array<i32>} : memref<512x96xf32, #tpu.memory_space<vmem>>, vector<16xf32>,
      %get3A_205 = arith.index_cast %squeeze3A_196 : i32 to index
      %get3A_206 = arith.constant 16 : index
      %get3A_207 = tpu.vector_load %arg10[%get3A_205, %get3A_206] {strides = array<i32>} : memref<32x32xf32, #tpu.memory_space<vmem>>, vector<16xf32>,
      %swap3A_208 = arith.index_cast %add3A_198 : i32 to index
      %swap3A_209 = arith.constant 16 : index
      %swap3A_210 = tpu.vector_load %arg13[%swap3A_208, %swap3A_209] {strides = array<i32>} : memref<512x96xf32, #tpu.memory_space<vmem>>, vector<16xf32>,
      tpu.vector_store %arg13[%swap3A_208, %swap3A_209], %get3A_207 {strides = array<i32>} : memref<512x96xf32, #tpu.memory_space<vmem>>, vector<16xf32>,
      %slice3A_211 = vector.extract_strided_slice %get3A_101 {offsets = [7], sizes = [1], strides = [1]} : vector<16xi32> to vector<1xi32>
      %squeeze3A_212 = vector.extract %slice3A_211[0] : i32 from vector<1xi32>
      %add3A_213 = arith.constant 7 : i32
      %add3A_214 = arith.addi %mul3A_98, %add3A_213 : i32
      %get3A_215 = arith.index_cast %squeeze3A_212 : i32 to index
      %get3A_216 = arith.constant 0 : index
      %get3A_217 = tpu.vector_load %arg10[%get3A_215, %get3A_216] {strides = array<i32>} : memref<32x32xf32, #tpu.memory_space<vmem>>, vector<16xf32>,
      %swap3A_218 = arith.index_cast %add3A_214 : i32 to index
      %swap3A_219 = arith.constant 0 : index
      %swap3A_220 = tpu.vector_load %arg13[%swap3A_218, %swap3A_219] {strides = array<i32>} : memref<512x96xf32, #tpu.memory_space<vmem>>, vector<16xf32>,
      tpu.vector_store %arg13[%swap3A_218, %swap3A_219], %get3A_217 {strides = array<i32>} : memref<512x96xf32, #tpu.memory_space<vmem>>, vector<16xf32>,
      %get3A_221 = arith.index_cast %squeeze3A_212 : i32 to index
      %get3A_222 = arith.constant 16 : index
      %get3A_223 = tpu.vector_load %arg10[%get3A_221, %get3A_222] {strides = array<i32>} : memref<32x32xf32, #tpu.memory_space<vmem>>, vector<16xf32>,
      %swap3A_224 = arith.index_cast %add3A_214 : i32 to index
      %swap3A_225 = arith.constant 16 : index
      %swap3A_226 = tpu.vector_load %arg13[%swap3A_224, %swap3A_225] {strides = array<i32>} : memref<512x96xf32, #tpu.memory_space<vmem>>, vector<16xf32>,
      tpu.vector_store %arg13[%swap3A_224, %swap3A_225], %get3A_223 {strides = array<i32>} : memref<512x96xf32, #tpu.memory_space<vmem>>, vector<16xf32>,
      %slice3A_227 = vector.extract_strided_slice %get3A_101 {offsets = [8], sizes = [1], strides = [1]} : vector<16xi32> to vector<1xi32>
      %squeeze3A_228 = vector.extract %slice3A_227[0] : i32 from vector<1xi32>
      %add3A_229 = arith.constant 8 : i32
      %add3A_230 = arith.addi %mul3A_98, %add3A_229 : i32
      %get3A_231 = arith.index_cast %squeeze3A_228 : i32 to index
      %get3A_232 = arith.constant 0 : index
      %get3A_233 = tpu.vector_load %arg10[%get3A_231, %get3A_232] {strides = array<i32>} : memref<32x32xf32, #tpu.memory_space<vmem>>, vector<16xf32>,
      %swap3A_234 = arith.index_cast %add3A_230 : i32 to index
      %swap3A_235 = arith.constant 0 : index
      %swap3A_236 = tpu.vector_load %arg13[%swap3A_234, %swap3A_235] {strides = array<i32>} : memref<512x96xf32, #tpu.memory_space<vmem>>, vector<16xf32>,
      tpu.vector_store %arg13[%swap3A_234, %swap3A_235], %get3A_233 {strides = array<i32>} : memref<512x96xf32, #tpu.memory_space<vmem>>, vector<16xf32>,
      %get3A_237 = arith.index_cast %squeeze3A_228 : i32 to index
      %get3A_238 = arith.constant 16 : index
      %get3A_239 = tpu.vector_load %arg10[%get3A_237, %get3A_238] {strides = array<i32>} : memref<32x32xf32, #tpu.memory_space<vmem>>, vector<16xf32>,
      %swap3A_240 = arith.index_cast %add3A_230 : i32 to index
      %swap3A_241 = arith.constant 16 : index
      %swap3A_242 = tpu.vector_load %arg13[%swap3A_240, %swap3A_241] {strides = array<i32>} : memref<512x96xf32, #tpu.memory_space<vmem>>, vector<16xf32>,
      tpu.vector_store %arg13[%swap3A_240, %swap3A_241], %get3A_239 {strides = array<i32>} : memref<512x96xf32, #tpu.memory_space<vmem>>, vector<16xf32>,
      %slice3A_243 = vector.extract_strided_slice %get3A_101 {offsets = [9], sizes = [1], strides = [1]} : vector<16xi32> to vector<1xi32>
      %squeeze3A_244 = vector.extract %slice3A_243[0] : i32 from vector<1xi32>
      %add3A_245 = arith.constant 9 : i32
      %add3A_246 = arith.addi %mul3A_98, %add3A_245 : i32
      %get3A_247 = arith.index_cast %squeeze3A_244 : i32 to index
      %get3A_248 = arith.constant 0 : index
      %get3A_249 = tpu.vector_load %arg10[%get3A_247, %get3A_248] {strides = array<i32>} : memref<32x32xf32, #tpu.memory_space<vmem>>, vector<16xf32>,
      %swap3A_250 = arith.index_cast %add3A_246 : i32 to index
      %swap3A_251 = arith.constant 0 : index
      %swap3A_252 = tpu.vector_load %arg13[%swap3A_250, %swap3A_251] {strides = array<i32>} : memref<512x96xf32, #tpu.memory_space<vmem>>, vector<16xf32>,
      tpu.vector_store %arg13[%swap3A_250, %swap3A_251], %get3A_249 {strides = array<i32>} : memref<512x96xf32, #tpu.memory_space<vmem>>, vector<16xf32>,
      %get3A_253 = arith.index_cast %squeeze3A_244 : i32 to index
      %get3A_254 = arith.constant 16 : index
      %get3A_255 = tpu.vector_load %arg10[%get3A_253, %get3A_254] {strides = array<i32>} : memref<32x32xf32, #tpu.memory_space<vmem>>, vector<16xf32>,
      %swap3A_256 = arith.index_cast %add3A_246 : i32 to index
      %swap3A_257 = arith.constant 16 : index
      %swap3A_258 = tpu.vector_load %arg13[%swap3A_256, %swap3A_257] {strides = array<i32>} : memref<512x96xf32, #tpu.memory_space<vmem>>, vector<16xf32>,
      tpu.vector_store %arg13[%swap3A_256, %swap3A_257], %get3A_255 {strides = array<i32>} : memref<512x96xf32, #tpu.memory_space<vmem>>, vector<16xf32>,
      %slice3A_259 = vector.extract_strided_slice %get3A_101 {offsets = [10], sizes = [1], strides = [1]} : vector<16xi32> to vector<1xi32>
      %squeeze3A_260 = vector.extract %slice3A_259[0] : i32 from vector<1xi32>
      %add3A_261 = arith.constant 10 : i32
      %add3A_262 = arith.addi %mul3A_98, %add3A_261 : i32
      %get3A_263 = arith.index_cast %squeeze3A_260 : i32 to index
      %get3A_264 = arith.constant 0 : index
      %get3A_265 = tpu.vector_load %arg10[%get3A_263, %get3A_264] {strides = array<i32>} : memref<32x32xf32, #tpu.memory_space<vmem>>, vector<16xf32>,
      %swap3A_266 = arith.index_cast %add3A_262 : i32 to index
      %swap3A_267 = arith.constant 0 : index
      %swap3A_268 = tpu.vector_load %arg13[%swap3A_266, %swap3A_267] {strides = array<i32>} : memref<512x96xf32, #tpu.memory_space<vmem>>, vector<16xf32>,
      tpu.vector_store %arg13[%swap3A_266, %swap3A_267], %get3A_265 {strides = array<i32>} : memref<512x96xf32, #tpu.memory_space<vmem>>, vector<16xf32>,
      %get3A_269 = arith.index_cast %squeeze3A_260 : i32 to index
      %get3A_270 = arith.constant 16 : index
      %get3A_271 = tpu.vector_load %arg10[%get3A_269, %get3A_270] {strides = array<i32>} : memref<32x32xf32, #tpu.memory_space<vmem>>, vector<16xf32>,
      %swap3A_272 = arith.index_cast %add3A_262 : i32 to index
      %swap3A_273 = arith.constant 16 : index
      %swap3A_274 = tpu.vector_load %arg13[%swap3A_272, %swap3A_273] {strides = array<i32>} : memref<512x96xf32, #tpu.memory_space<vmem>>, vector<16xf32>,
      tpu.vector_store %arg13[%swap3A_272, %swap3A_273], %get3A_271 {strides = array<i32>} : memref<512x96xf32, #tpu.memory_space<vmem>>, vector<16xf32>,
      %slice3A_275 = vector.extract_strided_slice %get3A_101 {offsets = [11], sizes = [1], strides = [1]} : vector<16xi32> to vector<1xi32>
      %squeeze3A_276 = vector.extract %slice3A_275[0] : i32 from vector<1xi32>
      %add3A_277 = arith.constant 11 : i32
      %add3A_278 = arith.addi %mul3A_98, %add3A_277 : i32
      %get3A_279 = arith.index_cast %squeeze3A_276 : i32 to index
      %get3A_280 = arith.constant 0 : index
      %get3A_281 = tpu.vector_load %arg10[%get3A_279, %get3A_280] {strides = array<i32>} : memref<32x32xf32, #tpu.memory_space<vmem>>, vector<16xf32>,
      %swap3A_282 = arith.index_cast %add3A_278 : i32 to index
      %swap3A_283 = arith.constant 0 : index
      %swap3A_284 = tpu.vector_load %arg13[%swap3A_282, %swap3A_283] {strides = array<i32>} : memref<512x96xf32, #tpu.memory_space<vmem>>, vector<16xf32>,
      tpu.vector_store %arg13[%swap3A_282, %swap3A_283], %get3A_281 {strides = array<i32>} : memref<512x96xf32, #tpu.memory_space<vmem>>, vector<16xf32>,
      %get3A_285 = arith.index_cast %squeeze3A_276 : i32 to index
      %get3A_286 = arith.constant 16 : index
      %get3A_287 = tpu.vector_load %arg10[%get3A_285, %get3A_286] {strides = array<i32>} : memref<32x32xf32, #tpu.memory_space<vmem>>, vector<16xf32>,
      %swap3A_288 = arith.index_cast %add3A_278 : i32 to index
      %swap3A_289 = arith.constant 16 : index
      %swap3A_290 = tpu.vector_load %arg13[%swap3A_288, %swap3A_289] {strides = array<i32>} : memref<512x96xf32, #tpu.memory_space<vmem>>, vector<16xf32>,
      tpu.vector_store %arg13[%swap3A_288, %swap3A_289], %get3A_287 {strides = array<i32>} : memref<512x96xf32, #tpu.memory_space<vmem>>, vector<16xf32>,
      %slice3A_291 = vector.extract_strided_slice %get3A_101 {offsets = [12], sizes = [1], strides = [1]} : vector<16xi32> to vector<1xi32>
      %squeeze3A_292 = vector.extract %slice3A_291[0] : i32 from vector<1xi32>
      %add3A_293 = arith.constant 12 : i32
      %add3A_294 = arith.addi %mul3A_98, %add3A_293 : i32
      %get3A_295 = arith.index_cast %squeeze3A_292 : i32 to index
      %get3A_296 = arith.constant 0 : index
      %get3A_297 = tpu.vector_load %arg10[%get3A_295, %get3A_296] {strides = array<i32>} : memref<32x32xf32, #tpu.memory_space<vmem>>, vector<16xf32>,
      %swap3A_298 = arith.index_cast %add3A_294 : i32 to index
      %swap3A_299 = arith.constant 0 : index
      %swap3A_300 = tpu.vector_load %arg13[%swap3A_298, %swap3A_299] {strides = array<i32>} : memref<512x96xf32, #tpu.memory_space<vmem>>, vector<16xf32>,
      tpu.vector_store %arg13[%swap3A_298, %swap3A_299], %get3A_297 {strides = array<i32>} : memref<512x96xf32, #tpu.memory_space<vmem>>, vector<16xf32>,
      %get3A_301 = arith.index_cast %squeeze3A_292 : i32 to index
      %get3A_302 = arith.constant 16 : index
      %get3A_303 = tpu.vector_load %arg10[%get3A_301, %get3A_302] {strides = array<i32>} : memref<32x32xf32, #tpu.memory_space<vmem>>, vector<16xf32>,
      %swap3A_304 = arith.index_cast %add3A_294 : i32 to index
      %swap3A_305 = arith.constant 16 : index
      %swap3A_306 = tpu.vector_load %arg13[%swap3A_304, %swap3A_305] {strides = array<i32>} : memref<512x96xf32, #tpu.memory_space<vmem>>, vector<16xf32>,
      tpu.vector_store %arg13[%swap3A_304, %swap3A_305], %get3A_303 {strides = array<i32>} : memref<512x96xf32, #tpu.memory_space<vmem>>, vector<16xf32>,
      %slice3A_307 = vector.extract_strided_slice %get3A_101 {offsets = [13], sizes = [1], strides = [1]} : vector<16xi32> to vector<1xi32>
      %squeeze3A_308 = vector.extract %slice3A_307[0] : i32 from vector<1xi32>
      %add3A_309 = arith.constant 13 : i32
      %add3A_310 = arith.addi %mul3A_98, %add3A_309 : i32
      %get3A_311 = arith.index_cast %squeeze3A_308 : i32 to index
      %get3A_312 = arith.constant 0 : index
      %get3A_313 = tpu.vector_load %arg10[%get3A_311, %get3A_312] {strides = array<i32>} : memref<32x32xf32, #tpu.memory_space<vmem>>, vector<16xf32>,
      %swap3A_314 = arith.index_cast %add3A_310 : i32 to index
      %swap3A_315 = arith.constant 0 : index
      %swap3A_316 = tpu.vector_load %arg13[%swap3A_314, %swap3A_315] {strides = array<i32>} : memref<512x96xf32, #tpu.memory_space<vmem>>, vector<16xf32>,
      tpu.vector_store %arg13[%swap3A_314, %swap3A_315], %get3A_313 {strides = array<i32>} : memref<512x96xf32, #tpu.memory_space<vmem>>, vector<16xf32>,
      %get3A_317 = arith.index_cast %squeeze3A_308 : i32 to index
      %get3A_318 = arith.constant 16 : index
      %get3A_319 = tpu.vector_load %arg10[%get3A_317, %get3A_318] {strides = array<i32>} : memref<32x32xf32, #tpu.memory_space<vmem>>, vector<16xf32>,
      %swap3A_320 = arith.index_cast %add3A_310 : i32 to index
      %swap3A_321 = arith.constant 16 : index
      %swap3A_322 = tpu.vector_load %arg13[%swap3A_320, %swap3A_321] {strides = array<i32>} : memref<512x96xf32, #tpu.memory_space<vmem>>, vector<16xf32>,
      tpu.vector_store %arg13[%swap3A_320, %swap3A_321], %get3A_319 {strides = array<i32>} : memref<512x96xf32, #tpu.memory_space<vmem>>, vector<16xf32>,
      %slice3A_323 = vector.extract_strided_slice %get3A_101 {offsets = [14], sizes = [1], strides = [1]} : vector<16xi32> to vector<1xi32>
      %squeeze3A_324 = vector.extract %slice3A_323[0] : i32 from vector<1xi32>
      %add3A_325 = arith.constant 14 : i32
      %add3A_326 = arith.addi %mul3A_98, %add3A_325 : i32
      %get3A_327 = arith.index_cast %squeeze3A_324 : i32 to index
      %get3A_328 = arith.constant 0 : index
      %get3A_329 = tpu.vector_load %arg10[%get3A_327, %get3A_328] {strides = array<i32>} : memref<32x32xf32, #tpu.memory_space<vmem>>, vector<16xf32>,
      %swap3A_330 = arith.index_cast %add3A_326 : i32 to index
      %swap3A_331 = arith.constant 0 : index
      %swap3A_332 = tpu.vector_load %arg13[%swap3A_330, %swap3A_331] {strides = array<i32>} : memref<512x96xf32, #tpu.memory_space<vmem>>, vector<16xf32>,
      tpu.vector_store %arg13[%swap3A_330, %swap3A_331], %get3A_329 {strides = array<i32>} : memref<512x96xf32, #tpu.memory_space<vmem>>, vector<16xf32>,
      %get3A_333 = arith.index_cast %squeeze3A_324 : i32 to index
      %get3A_334 = arith.constant 16 : index
      %get3A_335 = tpu.vector_load %arg10[%get3A_333, %get3A_334] {strides = array<i32>} : memref<32x32xf32, #tpu.memory_space<vmem>>, vector<16xf32>,
      %swap3A_336 = arith.index_cast %add3A_326 : i32 to index
      %swap3A_337 = arith.constant 16 : index
      %swap3A_338 = tpu.vector_load %arg13[%swap3A_336, %swap3A_337] {strides = array<i32>} : memref<512x96xf32, #tpu.memory_space<vmem>>, vector<16xf32>,
      tpu.vector_store %arg13[%swap3A_336, %swap3A_337], %get3A_335 {strides = array<i32>} : memref<512x96xf32, #tpu.memory_space<vmem>>, vector<16xf32>,
      %slice3A_339 = vector.extract_strided_slice %get3A_101 {offsets = [15], sizes = [1], strides = [1]} : vector<16xi32> to vector<1xi32>
      %squeeze3A_340 = vector.extract %slice3A_339[0] : i32 from vector<1xi32>
      %add3A_341 = arith.constant 15 : i32
      %add3A_342 = arith.addi %mul3A_98, %add3A_341 : i32
      %get3A_343 = arith.index_cast %squeeze3A_340 : i32 to index
      %get3A_344 = arith.constant 0 : index
      %get3A_345 = tpu.vector_load %arg10[%get3A_343, %get3A_344] {strides = array<i32>} : memref<32x32xf32, #tpu.memory_space<vmem>>, vector<16xf32>,
      %swap3A_346 = arith.index_cast %add3A_342 : i32 to index
      %swap3A_347 = arith.constant 0 : index
      %swap3A_348 = tpu.vector_load %arg13[%swap3A_346, %swap3A_347] {strides = array<i32>} : memref<512x96xf32, #tpu.memory_space<vmem>>, vector<16xf32>,
      tpu.vector_store %arg13[%swap3A_346, %swap3A_347], %get3A_345 {strides = array<i32>} : memref<512x96xf32, #tpu.memory_space<vmem>>, vector<16xf32>,
      %get3A_349 = arith.index_cast %squeeze3A_340 : i32 to index
      %get3A_350 = arith.constant 16 : index
      %get3A_351 = tpu.vector_load %arg10[%get3A_349, %get3A_350] {strides = array<i32>} : memref<32x32xf32, #tpu.memory_space<vmem>>, vector<16xf32>,
      %swap3A_352 = arith.index_cast %add3A_342 : i32 to index
      %swap3A_353 = arith.constant 16 : index
      %swap3A_354 = tpu.vector_load %arg13[%swap3A_352, %swap3A_353] {strides = array<i32>} : memref<512x96xf32, #tpu.memory_space<vmem>>, vector<16xf32>,
      tpu.vector_store %arg13[%swap3A_352, %swap3A_353], %get3A_351 {strides = array<i32>} : memref<512x96xf32, #tpu.memory_space<vmem>>, vector<16xf32>,
      %get3A_355 = arith.constant 1 : i32
      %get3A_356 = arith.index_cast %get3A_355 : i32 to index
      %get3A_357 = arith.index_cast %mul3A_98 : i32 to index
      %get3A_358 = tpu.vector_load %arg9[%get3A_356, %get3A_357] {strides = array<i32>} : memref<3x512xi32, #tpu.memory_space<vmem>>, vector<16xi32>,
      %slice3A_359 = vector.extract_strided_slice %get3A_358 {offsets = [0], sizes = [1], strides = [1]} : vector<16xi32> to vector<1xi32>
      %squeeze3A_360 = vector.extract %slice3A_359[0] : i32 from vector<1xi32>
      %add3A_361 = arith.constant 0 : i32
      %add3A_362 = arith.addi %mul3A_98, %add3A_361 : i32
      %get3A_363 = arith.index_cast %squeeze3A_360 : i32 to index
      %get3A_364 = arith.constant 0 : index
      %get3A_365 = tpu.vector_load %arg11[%get3A_363, %get3A_364] {strides = array<i32>} : memref<32x32xf32, #tpu.memory_space<vmem>>, vector<16xf32>,
      %swap3A_366 = arith.index_cast %add3A_362 : i32 to index
      %swap3A_367 = arith.constant 32 : index
      %swap3A_368 = tpu.vector_load %arg13[%swap3A_366, %swap3A_367] {strides = array<i32>} : memref<512x96xf32, #tpu.memory_space<vmem>>, vector<16xf32>,
      tpu.vector_store %arg13[%swap3A_366, %swap3A_367], %get3A_365 {strides = array<i32>} : memref<512x96xf32, #tpu.memory_space<vmem>>, vector<16xf32>,
      %get3A_369 = arith.index_cast %squeeze3A_360 : i32 to index
      %get3A_370 = arith.constant 16 : index
      %get3A_371 = tpu.vector_load %arg11[%get3A_369, %get3A_370] {strides = array<i32>} : memref<32x32xf32, #tpu.memory_space<vmem>>, vector<16xf32>,
      %swap3A_372 = arith.index_cast %add3A_362 : i32 to index
      %swap3A_373 = arith.constant 48 : index
      %swap3A_374 = tpu.vector_load %arg13[%swap3A_372, %swap3A_373] {strides = array<i32>} : memref<512x96xf32, #tpu.memory_space<vmem>>, vector<16xf32>,
      tpu.vector_store %arg13[%swap3A_372, %swap3A_373], %get3A_371 {strides = array<i32>} : memref<512x96xf32, #tpu.memory_space<vmem>>, vector<16xf32>,
      %slice3A_375 = vector.extract_strided_slice %get3A_358 {offsets = [1], sizes = [1], strides = [1]} : vector<16xi32> to vector<1xi32>
      %squeeze3A_376 = vector.extract %slice3A_375[0] : i32 from vector<1xi32>
      %add3A_377 = arith.constant 1 : i32
      %add3A_378 = arith.addi %mul3A_98, %add3A_377 : i32
      %get3A_379 = arith.index_cast %squeeze3A_376 : i32 to index
      %get3A_380 = arith.constant 0 : index
      %get3A_381 = tpu.vector_load %arg11[%get3A_379, %get3A_380] {strides = array<i32>} : memref<32x32xf32, #tpu.memory_space<vmem>>, vector<16xf32>,
      %swap3A_382 = arith.index_cast %add3A_378 : i32 to index
      %swap3A_383 = arith.constant 32 : index
      %swap3A_384 = tpu.vector_load %arg13[%swap3A_382, %swap3A_383] {strides = array<i32>} : memref<512x96xf32, #tpu.memory_space<vmem>>, vector<16xf32>,
      tpu.vector_store %arg13[%swap3A_382, %swap3A_383], %get3A_381 {strides = array<i32>} : memref<512x96xf32, #tpu.memory_space<vmem>>, vector<16xf32>,
      %get3A_385 = arith.index_cast %squeeze3A_376 : i32 to index
      %get3A_386 = arith.constant 16 : index
      %get3A_387 = tpu.vector_load %arg11[%get3A_385, %get3A_386] {strides = array<i32>} : memref<32x32xf32, #tpu.memory_space<vmem>>, vector<16xf32>,
      %swap3A_388 = arith.index_cast %add3A_378 : i32 to index
      %swap3A_389 = arith.constant 48 : index
      %swap3A_390 = tpu.vector_load %arg13[%swap3A_388, %swap3A_389] {strides = array<i32>} : memref<512x96xf32, #tpu.memory_space<vmem>>, vector<16xf32>,
      tpu.vector_store %arg13[%swap3A_388, %swap3A_389], %get3A_387 {strides = array<i32>} : memref<512x96xf32, #tpu.memory_space<vmem>>, vector<16xf32>,
      %slice3A_391 = vector.extract_strided_slice %get3A_358 {offsets = [2], sizes = [1], strides = [1]} : vector<16xi32> to vector<1xi32>
      %squeeze3A_392 = vector.extract %slice3A_391[0] : i32 from vector<1xi32>
      %add3A_393 = arith.constant 2 : i32
      %add3A_394 = arith.addi %mul3A_98, %add3A_393 : i32
      %get3A_395 = arith.index_cast %squeeze3A_392 : i32 to index
      %get3A_396 = arith.constant 0 : index
      %get3A_397 = tpu.vector_load %arg11[%get3A_395, %get3A_396] {strides = array<i32>} : memref<32x32xf32, #tpu.memory_space<vmem>>, vector<16xf32>,
      %swap3A_398 = arith.index_cast %add3A_394 : i32 to index
      %swap3A_399 = arith.constant 32 : index
      %swap3A_400 = tpu.vector_load %arg13[%swap3A_398, %swap3A_399] {strides = array<i32>} : memref<512x96xf32, #tpu.memory_space<vmem>>, vector<16xf32>,
      tpu.vector_store %arg13[%swap3A_398, %swap3A_399], %get3A_397 {strides = array<i32>} : memref<512x96xf32, #tpu.memory_space<vmem>>, vector<16xf32>,
      %get3A_401 = arith.index_cast %squeeze3A_392 : i32 to index
      %get3A_402 = arith.constant 16 : index
      %get3A_403 = tpu.vector_load %arg11[%get3A_401, %get3A_402] {strides = array<i32>} : memref<32x32xf32, #tpu.memory_space<vmem>>, vector<16xf32>,
      %swap3A_404 = arith.index_cast %add3A_394 : i32 to index
      %swap3A_405 = arith.constant 48 : index
      %swap3A_406 = tpu.vector_load %arg13[%swap3A_404, %swap3A_405] {strides = array<i32>} : memref<512x96xf32, #tpu.memory_space<vmem>>, vector<16xf32>,
      tpu.vector_store %arg13[%swap3A_404, %swap3A_405], %get3A_403 {strides = array<i32>} : memref<512x96xf32, #tpu.memory_space<vmem>>, vector<16xf32>,
      %slice3A_407 = vector.extract_strided_slice %get3A_358 {offsets = [3], sizes = [1], strides = [1]} : vector<16xi32> to vector<1xi32>
      %squeeze3A_408 = vector.extract %slice3A_407[0] : i32 from vector<1xi32>
      %add3A_409 = arith.constant 3 : i32
      %add3A_410 = arith.addi %mul3A_98, %add3A_409 : i32
      %get3A_411 = arith.index_cast %squeeze3A_408 : i32 to index
      %get3A_412 = arith.constant 0 : index
      %get3A_413 = tpu.vector_load %arg11[%get3A_411, %get3A_412] {strides = array<i32>} : memref<32x32xf32, #tpu.memory_space<vmem>>, vector<16xf32>,
      %swap3A_414 = arith.index_cast %add3A_410 : i32 to index
      %swap3A_415 = arith.constant 32 : index
      %swap3A_416 = tpu.vector_load %arg13[%swap3A_414, %swap3A_415] {strides = array<i32>} : memref<512x96xf32, #tpu.memory_space<vmem>>, vector<16xf32>,
      tpu.vector_store %arg13[%swap3A_414, %swap3A_415], %get3A_413 {strides = array<i32>} : memref<512x96xf32, #tpu.memory_space<vmem>>, vector<16xf32>,
      %get3A_417 = arith.index_cast %squeeze3A_408 : i32 to index
      %get3A_418 = arith.constant 16 : index
      %get3A_419 = tpu.vector_load %arg11[%get3A_417, %get3A_418] {strides = array<i32>} : memref<32x32xf32, #tpu.memory_space<vmem>>, vector<16xf32>,
      %swap3A_420 = arith.index_cast %add3A_410 : i32 to index
      %swap3A_421 = arith.constant 48 : index
      %swap3A_422 = tpu.vector_load %arg13[%swap3A_420, %swap3A_421] {strides = array<i32>} : memref<512x96xf32, #tpu.memory_space<vmem>>, vector<16xf32>,
      tpu.vector_store %arg13[%swap3A_420, %swap3A_421], %get3A_419 {strides = array<i32>} : memref<512x96xf32, #tpu.memory_space<vmem>>, vector<16xf32>,
      %slice3A_423 = vector.extract_strided_slice %get3A_358 {offsets = [4], sizes = [1], strides = [1]} : vector<16xi32> to vector<1xi32>
      %squeeze3A_424 = vector.extract %slice3A_423[0] : i32 from vector<1xi32>
      %add3A_425 = arith.constant 4 : i32
      %add3A_426 = arith.addi %mul3A_98, %add3A_425 : i32
      %get3A_427 = arith.index_cast %squeeze3A_424 : i32 to index
      %get3A_428 = arith.constant 0 : index
      %get3A_429 = tpu.vector_load %arg11[%get3A_427, %get3A_428] {strides = array<i32>} : memref<32x32xf32, #tpu.memory_space<vmem>>, vector<16xf32>,
      %swap3A_430 = arith.index_cast %add3A_426 : i32 to index
      %swap3A_431 = arith.constant 32 : index
      %swap3A_432 = tpu.vector_load %arg13[%swap3A_430, %swap3A_431] {strides = array<i32>} : memref<512x96xf32, #tpu.memory_space<vmem>>, vector<16xf32>,
      tpu.vector_store %arg13[%swap3A_430, %swap3A_431], %get3A_429 {strides = array<i32>} : memref<512x96xf32, #tpu.memory_space<vmem>>, vector<16xf32>,
      %get3A_433 = arith.index_cast %squeeze3A_424 : i32 to index
      %get3A_434 = arith.constant 16 : index
      %get3A_435 = tpu.vector_load %arg11[%get3A_433, %get3A_434] {strides = array<i32>} : memref<32x32xf32, #tpu.memory_space<vmem>>, vector<16xf32>,
      %swap3A_436 = arith.index_cast %add3A_426 : i32 to index
      %swap3A_437 = arith.constant 48 : index
      %swap3A_438 = tpu.vector_load %arg13[%swap3A_436, %swap3A_437] {strides = array<i32>} : memref<512x96xf32, #tpu.memory_space<vmem>>, vector<16xf32>,
      tpu.vector_store %arg13[%swap3A_436, %swap3A_437], %get3A_435 {strides = array<i32>} : memref<512x96xf32, #tpu.memory_space<vmem>>, vector<16xf32>,
      %slice3A_439 = vector.extract_strided_slice %get3A_358 {offsets = [5], sizes = [1], strides = [1]} : vector<16xi32> to vector<1xi32>
      %squeeze3A_440 = vector.extract %slice3A_439[0] : i32 from vector<1xi32>
      %add3A_441 = arith.constant 5 : i32
      %add3A_442 = arith.addi %mul3A_98, %add3A_441 : i32
      %get3A_443 = arith.index_cast %squeeze3A_440 : i32 to index
      %get3A_444 = arith.constant 0 : index
      %get3A_445 = tpu.vector_load %arg11[%get3A_443, %get3A_444] {strides = array<i32>} : memref<32x32xf32, #tpu.memory_space<vmem>>, vector<16xf32>,
      %swap3A_446 = arith.index_cast %add3A_442 : i32 to index
      %swap3A_447 = arith.constant 32 : index
      %swap3A_448 = tpu.vector_load %arg13[%swap3A_446, %swap3A_447] {strides = array<i32>} : memref<512x96xf32, #tpu.memory_space<vmem>>, vector<16xf32>,
      tpu.vector_store %arg13[%swap3A_446, %swap3A_447], %get3A_445 {strides = array<i32>} : memref<512x96xf32, #tpu.memory_space<vmem>>, vector<16xf32>,
      %get3A_449 = arith.index_cast %squeeze3A_440 : i32 to index
      %get3A_450 = arith.constant 16 : index
      %get3A_451 = tpu.vector_load %arg11[%get3A_449, %get3A_450] {strides = array<i32>} : memref<32x32xf32, #tpu.memory_space<vmem>>, vector<16xf32>,
      %swap3A_452 = arith.index_cast %add3A_442 : i32 to index
      %swap3A_453 = arith.constant 48 : index
      %swap3A_454 = tpu.vector_load %arg13[%swap3A_452, %swap3A_453] {strides = array<i32>} : memref<512x96xf32, #tpu.memory_space<vmem>>, vector<16xf32>,
      tpu.vector_store %arg13[%swap3A_452, %swap3A_453], %get3A_451 {strides = array<i32>} : memref<512x96xf32, #tpu.memory_space<vmem>>, vector<16xf32>,
      %slice3A_455 = vector.extract_strided_slice %get3A_358 {offsets = [6], sizes = [1], strides = [1]} : vector<16xi32> to vector<1xi32>
      %squeeze3A_456 = vector.extract %slice3A_455[0] : i32 from vector<1xi32>
      %add3A_457 = arith.constant 6 : i32
      %add3A_458 = arith.addi %mul3A_98, %add3A_457 : i32
      %get3A_459 = arith.index_cast %squeeze3A_456 : i32 to index
      %get3A_460 = arith.constant 0 : index
      %get3A_461 = tpu.vector_load %arg11[%get3A_459, %get3A_460] {strides = array<i32>} : memref<32x32xf32, #tpu.memory_space<vmem>>, vector<16xf32>,
      %swap3A_462 = arith.index_cast %add3A_458 : i32 to index
      %swap3A_463 = arith.constant 32 : index
      %swap3A_464 = tpu.vector_load %arg13[%swap3A_462, %swap3A_463] {strides = array<i32>} : memref<512x96xf32, #tpu.memory_space<vmem>>, vector<16xf32>,
      tpu.vector_store %arg13[%swap3A_462, %swap3A_463], %get3A_461 {strides = array<i32>} : memref<512x96xf32, #tpu.memory_space<vmem>>, vector<16xf32>,
      %get3A_465 = arith.index_cast %squeeze3A_456 : i32 to index
      %get3A_466 = arith.constant 16 : index
      %get3A_467 = tpu.vector_load %arg11[%get3A_465, %get3A_466] {strides = array<i32>} : memref<32x32xf32, #tpu.memory_space<vmem>>, vector<16xf32>,
      %swap3A_468 = arith.index_cast %add3A_458 : i32 to index
      %swap3A_469 = arith.constant 48 : index
      %swap3A_470 = tpu.vector_load %arg13[%swap3A_468, %swap3A_469] {strides = array<i32>} : memref<512x96xf32, #tpu.memory_space<vmem>>, vector<16xf32>,
      tpu.vector_store %arg13[%swap3A_468, %swap3A_469], %get3A_467 {strides = array<i32>} : memref<512x96xf32, #tpu.memory_space<vmem>>, vector<16xf32>,
      %slice3A_471 = vector.extract_strided_slice %get3A_358 {offsets = [7], sizes = [1], strides = [1]} : vector<16xi32> to vector<1xi32>
      %squeeze3A_472 = vector.extract %slice3A_471[0] : i32 from vector<1xi32>
      %add3A_473 = arith.constant 7 : i32
      %add3A_474 = arith.addi %mul3A_98, %add3A_473 : i32
      %get3A_475 = arith.index_cast %squeeze3A_472 : i32 to index
      %get3A_476 = arith.constant 0 : index
      %get3A_477 = tpu.vector_load %arg11[%get3A_475, %get3A_476] {strides = array<i32>} : memref<32x32xf32, #tpu.memory_space<vmem>>, vector<16xf32>,
      %swap3A_478 = arith.index_cast %add3A_474 : i32 to index
      %swap3A_479 = arith.constant 32 : index
      %swap3A_480 = tpu.vector_load %arg13[%swap3A_478, %swap3A_479] {strides = array<i32>} : memref<512x96xf32, #tpu.memory_space<vmem>>, vector<16xf32>,
      tpu.vector_store %arg13[%swap3A_478, %swap3A_479], %get3A_477 {strides = array<i32>} : memref<512x96xf32, #tpu.memory_space<vmem>>, vector<16xf32>,
      %get3A_481 = arith.index_cast %squeeze3A_472 : i32 to index
      %get3A_482 = arith.constant 16 : index
      %get3A_483 = tpu.vector_load %arg11[%get3A_481, %get3A_482] {strides = array<i32>} : memref<32x32xf32, #tpu.memory_space<vmem>>, vector<16xf32>,
      %swap3A_484 = arith.index_cast %add3A_474 : i32 to index
      %swap3A_485 = arith.constant 48 : index
      %swap3A_486 = tpu.vector_load %arg13[%swap3A_484, %swap3A_485] {strides = array<i32>} : memref<512x96xf32, #tpu.memory_space<vmem>>, vector<16xf32>,
      tpu.vector_store %arg13[%swap3A_484, %swap3A_485], %get3A_483 {strides = array<i32>} : memref<512x96xf32, #tpu.memory_space<vmem>>, vector<16xf32>,
      %slice3A_487 = vector.extract_strided_slice %get3A_358 {offsets = [8], sizes = [1], strides = [1]} : vector<16xi32> to vector<1xi32>
      %squeeze3A_488 = vector.extract %slice3A_487[0] : i32 from vector<1xi32>
      %add3A_489 = arith.constant 8 : i32
      %add3A_490 = arith.addi %mul3A_98, %add3A_489 : i32
      %get3A_491 = arith.index_cast %squeeze3A_488 : i32 to index
      %get3A_492 = arith.constant 0 : index
      %get3A_493 = tpu.vector_load %arg11[%get3A_491, %get3A_492] {strides = array<i32>} : memref<32x32xf32, #tpu.memory_space<vmem>>, vector<16xf32>,
      %swap3A_494 = arith.index_cast %add3A_490 : i32 to index
      %swap3A_495 = arith.constant 32 : index
      %swap3A_496 = tpu.vector_load %arg13[%swap3A_494, %swap3A_495] {strides = array<i32>} : memref<512x96xf32, #tpu.memory_space<vmem>>, vector<16xf32>,
      tpu.vector_store %arg13[%swap3A_494, %swap3A_495], %get3A_493 {strides = array<i32>} : memref<512x96xf32, #tpu.memory_space<vmem>>, vector<16xf32>,
      %get3A_497 = arith.index_cast %squeeze3A_488 : i32 to index
      %get3A_498 = arith.constant 16 : index
      %get3A_499 = tpu.vector_load %arg11[%get3A_497, %get3A_498] {strides = array<i32>} : memref<32x32xf32, #tpu.memory_space<vmem>>, vector<16xf32>,
      %swap3A_500 = arith.index_cast %add3A_490 : i32 to index
      %swap3A_501 = arith.constant 48 : index
      %swap3A_502 = tpu.vector_load %arg13[%swap3A_500, %swap3A_501] {strides = array<i32>} : memref<512x96xf32, #tpu.memory_space<vmem>>, vector<16xf32>,
      tpu.vector_store %arg13[%swap3A_500, %swap3A_501], %get3A_499 {strides = array<i32>} : memref<512x96xf32, #tpu.memory_space<vmem>>, vector<16xf32>,
      %slice3A_503 = vector.extract_strided_slice %get3A_358 {offsets = [9], sizes = [1], strides = [1]} : vector<16xi32> to vector<1xi32>
      %squeeze3A_504 = vector.extract %slice3A_503[0] : i32 from vector<1xi32>
      %add3A_505 = arith.constant 9 : i32
      %add3A_506 = arith.addi %mul3A_98, %add3A_505 : i32
      %get3A_507 = arith.index_cast %squeeze3A_504 : i32 to index
      %get3A_508 = arith.constant 0 : index
      %get3A_509 = tpu.vector_load %arg11[%get3A_507, %get3A_508] {strides = array<i32>} : memref<32x32xf32, #tpu.memory_space<vmem>>, vector<16xf32>,
      %swap3A_510 = arith.index_cast %add3A_506 : i32 to index
      %swap3A_511 = arith.constant 32 : index
      %swap3A_512 = tpu.vector_load %arg13[%swap3A_510, %swap3A_511] {strides = array<i32>} : memref<512x96xf32, #tpu.memory_space<vmem>>, vector<16xf32>,
      tpu.vector_store %arg13[%swap3A_510, %swap3A_511], %get3A_509 {strides = array<i32>} : memref<512x96xf32, #tpu.memory_space<vmem>>, vector<16xf32>,
      %get3A_513 = arith.index_cast %squeeze3A_504 : i32 to index
      %get3A_514 = arith.constant 16 : index
      %get3A_515 = tpu.vector_load %arg11[%get3A_513, %get3A_514] {strides = array<i32>} : memref<32x32xf32, #tpu.memory_space<vmem>>, vector<16xf32>,
      %swap3A_516 = arith.index_cast %add3A_506 : i32 to index
      %swap3A_517 = arith.constant 48 : index
      %swap3A_518 = tpu.vector_load %arg13[%swap3A_516, %swap3A_517] {strides = array<i32>} : memref<512x96xf32, #tpu.memory_space<vmem>>, vector<16xf32>,
      tpu.vector_store %arg13[%swap3A_516, %swap3A_517], %get3A_515 {strides = array<i32>} : memref<512x96xf32, #tpu.memory_space<vmem>>, vector<16xf32>,
      %slice3A_519 = vector.extract_strided_slice %get3A_358 {offsets = [10], sizes = [1], strides = [1]} : vector<16xi32> to vector<1xi32>
      %squeeze3A_520 = vector.extract %slice3A_519[0] : i32 from vector<1xi32>
      %add3A_521 = arith.constant 10 : i32
      %add3A_522 = arith.addi %mul3A_98, %add3A_521 : i32
      %get3A_523 = arith.index_cast %squeeze3A_520 : i32 to index
      %get3A_524 = arith.constant 0 : index
      %get3A_525 = tpu.vector_load %arg11[%get3A_523, %get3A_524] {strides = array<i32>} : memref<32x32xf32, #tpu.memory_space<vmem>>, vector<16xf32>,
      %swap3A_526 = arith.index_cast %add3A_522 : i32 to index
      %swap3A_527 = arith.constant 32 : index
      %swap3A_528 = tpu.vector_load %arg13[%swap3A_526, %swap3A_527] {strides = array<i32>} : memref<512x96xf32, #tpu.memory_space<vmem>>, vector<16xf32>,
      tpu.vector_store %arg13[%swap3A_526, %swap3A_527], %get3A_525 {strides = array<i32>} : memref<512x96xf32, #tpu.memory_space<vmem>>, vector<16xf32>,
      %get3A_529 = arith.index_cast %squeeze3A_520 : i32 to index
      %get3A_530 = arith.constant 16 : index
      %get3A_531 = tpu.vector_load %arg11[%get3A_529, %get3A_530] {strides = array<i32>} : memref<32x32xf32, #tpu.memory_space<vmem>>, vector<16xf32>,
      %swap3A_532 = arith.index_cast %add3A_522 : i32 to index
      %swap3A_533 = arith.constant 48 : index
      %swap3A_534 = tpu.vector_load %arg13[%swap3A_532, %swap3A_533] {strides = array<i32>} : memref<512x96xf32, #tpu.memory_space<vmem>>, vector<16xf32>,
      tpu.vector_store %arg13[%swap3A_532, %swap3A_533], %get3A_531 {strides = array<i32>} : memref<512x96xf32, #tpu.memory_space<vmem>>, vector<16xf32>,
      %slice3A_535 = vector.extract_strided_slice %get3A_358 {offsets = [11], sizes = [1], strides = [1]} : vector<16xi32> to vector<1xi32>
      %squeeze3A_536 = vector.extract %slice3A_535[0] : i32 from vector<1xi32>
      %add3A_537 = arith.constant 11 : i32
      %add3A_538 = arith.addi %mul3A_98, %add3A_537 : i32
      %get3A_539 = arith.index_cast %squeeze3A_536 : i32 to index
      %get3A_540 = arith.constant 0 : index
      %get3A_541 = tpu.vector_load %arg11[%get3A_539, %get3A_540] {strides = array<i32>} : memref<32x32xf32, #tpu.memory_space<vmem>>, vector<16xf32>,
      %swap3A_542 = arith.index_cast %add3A_538 : i32 to index
      %swap3A_543 = arith.constant 32 : index
      %swap3A_544 = tpu.vector_load %arg13[%swap3A_542, %swap3A_543] {strides = array<i32>} : memref<512x96xf32, #tpu.memory_space<vmem>>, vector<16xf32>,
      tpu.vector_store %arg13[%swap3A_542, %swap3A_543], %get3A_541 {strides = array<i32>} : memref<512x96xf32, #tpu.memory_space<vmem>>, vector<16xf32>,
      %get3A_545 = arith.index_cast %squeeze3A_536 : i32 to index
      %get3A_546 = arith.constant 16 : index
      %get3A_547 = tpu.vector_load %arg11[%get3A_545, %get3A_546] {strides = array<i32>} : memref<32x32xf32, #tpu.memory_space<vmem>>, vector<16xf32>,
      %swap3A_548 = arith.index_cast %add3A_538 : i32 to index
      %swap3A_549 = arith.constant 48 : index
      %swap3A_550 = tpu.vector_load %arg13[%swap3A_548, %swap3A_549] {strides = array<i32>} : memref<512x96xf32, #tpu.memory_space<vmem>>, vector<16xf32>,
      tpu.vector_store %arg13[%swap3A_548, %swap3A_549], %get3A_547 {strides = array<i32>} : memref<512x96xf32, #tpu.memory_space<vmem>>, vector<16xf32>,
      %slice3A_551 = vector.extract_strided_slice %get3A_358 {offsets = [12], sizes = [1], strides = [1]} : vector<16xi32> to vector<1xi32>
      %squeeze3A_552 = vector.extract %slice3A_551[0] : i32 from vector<1xi32>
      %add3A_553 = arith.constant 12 : i32
      %add3A_554 = arith.addi %mul3A_98, %add3A_553 : i32
      %get3A_555 = arith.index_cast %squeeze3A_552 : i32 to index
      %get3A_556 = arith.constant 0 : index
      %get3A_557 = tpu.vector_load %arg11[%get3A_555, %get3A_556] {strides = array<i32>} : memref<32x32xf32, #tpu.memory_space<vmem>>, vector<16xf32>,
      %swap3A_558 = arith.index_cast %add3A_554 : i32 to index
      %swap3A_559 = arith.constant 32 : index
      %swap3A_560 = tpu.vector_load %arg13[%swap3A_558, %swap3A_559] {strides = array<i32>} : memref<512x96xf32, #tpu.memory_space<vmem>>, vector<16xf32>,
      tpu.vector_store %arg13[%swap3A_558, %swap3A_559], %get3A_557 {strides = array<i32>} : memref<512x96xf32, #tpu.memory_space<vmem>>, vector<16xf32>,
      %get3A_561 = arith.index_cast %squeeze3A_552 : i32 to index
      %get3A_562 = arith.constant 16 : index
      %get3A_563 = tpu.vector_load %arg11[%get3A_561, %get3A_562] {strides = array<i32>} : memref<32x32xf32, #tpu.memory_space<vmem>>, vector<16xf32>,
      %swap3A_564 = arith.index_cast %add3A_554 : i32 to index
      %swap3A_565 = arith.constant 48 : index
      %swap3A_566 = tpu.vector_load %arg13[%swap3A_564, %swap3A_565] {strides = array<i32>} : memref<512x96xf32, #tpu.memory_space<vmem>>, vector<16xf32>,
      tpu.vector_store %arg13[%swap3A_564, %swap3A_565], %get3A_563 {strides = array<i32>} : memref<512x96xf32, #tpu.memory_space<vmem>>, vector<16xf32>,
      %slice3A_567 = vector.extract_strided_slice %get3A_358 {offsets = [13], sizes = [1], strides = [1]} : vector<16xi32> to vector<1xi32>
      %squeeze3A_568 = vector.extract %slice3A_567[0] : i32 from vector<1xi32>
      %add3A_569 = arith.constant 13 : i32
      %add3A_570 = arith.addi %mul3A_98, %add3A_569 : i32
      %get3A_571 = arith.index_cast %squeeze3A_568 : i32 to index
      %get3A_572 = arith.constant 0 : index
      %get3A_573 = tpu.vector_load %arg11[%get3A_571, %get3A_572] {strides = array<i32>} : memref<32x32xf32, #tpu.memory_space<vmem>>, vector<16xf32>,
      %swap3A_574 = arith.index_cast %add3A_570 : i32 to index
      %swap3A_575 = arith.constant 32 : index
      %swap3A_576 = tpu.vector_load %arg13[%swap3A_574, %swap3A_575] {strides = array<i32>} : memref<512x96xf32, #tpu.memory_space<vmem>>, vector<16xf32>,
      tpu.vector_store %arg13[%swap3A_574, %swap3A_575], %get3A_573 {strides = array<i32>} : memref<512x96xf32, #tpu.memory_space<vmem>>, vector<16xf32>,
      %get3A_577 = arith.index_cast %squeeze3A_568 : i32 to index
      %get3A_578 = arith.constant 16 : index
      %get3A_579 = tpu.vector_load %arg11[%get3A_577, %get3A_578] {strides = array<i32>} : memref<32x32xf32, #tpu.memory_space<vmem>>, vector<16xf32>,
      %swap3A_580 = arith.index_cast %add3A_570 : i32 to index
      %swap3A_581 = arith.constant 48 : index
      %swap3A_582 = tpu.vector_load %arg13[%swap3A_580, %swap3A_581] {strides = array<i32>} : memref<512x96xf32, #tpu.memory_space<vmem>>, vector<16xf32>,
      tpu.vector_store %arg13[%swap3A_580, %swap3A_581], %get3A_579 {strides = array<i32>} : memref<512x96xf32, #tpu.memory_space<vmem>>, vector<16xf32>,
      %slice3A_583 = vector.extract_strided_slice %get3A_358 {offsets = [14], sizes = [1], strides = [1]} : vector<16xi32> to vector<1xi32>
      %squeeze3A_584 = vector.extract %slice3A_583[0] : i32 from vector<1xi32>
      %add3A_585 = arith.constant 14 : i32
      %add3A_586 = arith.addi %mul3A_98, %add3A_585 : i32
      %get3A_587 = arith.index_cast %squeeze3A_584 : i32 to index
      %get3A_588 = arith.constant 0 : index
      %get3A_589 = tpu.vector_load %arg11[%get3A_587, %get3A_588] {strides = array<i32>} : memref<32x32xf32, #tpu.memory_space<vmem>>, vector<16xf32>,
      %swap3A_590 = arith.index_cast %add3A_586 : i32 to index
      %swap3A_591 = arith.constant 32 : index
      %swap3A_592 = tpu.vector_load %arg13[%swap3A_590, %swap3A_591] {strides = array<i32>} : memref<512x96xf32, #tpu.memory_space<vmem>>, vector<16xf32>,
      tpu.vector_store %arg13[%swap3A_590, %swap3A_591], %get3A_589 {strides = array<i32>} : memref<512x96xf32, #tpu.memory_space<vmem>>, vector<16xf32>,
      %get3A_593 = arith.index_cast %squeeze3A_584 : i32 to index
      %get3A_594 = arith.constant 16 : index
      %get3A_595 = tpu.vector_load %arg11[%get3A_593, %get3A_594] {strides = array<i32>} : memref<32x32xf32, #tpu.memory_space<vmem>>, vector<16xf32>,
      %swap3A_596 = arith.index_cast %add3A_586 : i32 to index
      %swap3A_597 = arith.constant 48 : index
      %swap3A_598 = tpu.vector_load %arg13[%swap3A_596, %swap3A_597] {strides = array<i32>} : memref<512x96xf32, #tpu.memory_space<vmem>>, vector<16xf32>,
      tpu.vector_store %arg13[%swap3A_596, %swap3A_597], %get3A_595 {strides = array<i32>} : memref<512x96xf32, #tpu.memory_space<vmem>>, vector<16xf32>,
      %slice3A_599 = vector.extract_strided_slice %get3A_358 {offsets = [15], sizes = [1], strides = [1]} : vector<16xi32> to vector<1xi32>
      %squeeze3A_600 = vector.extract %slice3A_599[0] : i32 from vector<1xi32>
      %add3A_601 = arith.constant 15 : i32
      %add3A_602 = arith.addi %mul3A_98, %add3A_601 : i32
      %get3A_603 = arith.index_cast %squeeze3A_600 : i32 to index
      %get3A_604 = arith.constant 0 : index
      %get3A_605 = tpu.vector_load %arg11[%get3A_603, %get3A_604] {strides = array<i32>} : memref<32x32xf32, #tpu.memory_space<vmem>>, vector<16xf32>,
      %swap3A_606 = arith.index_cast %add3A_602 : i32 to index
      %swap3A_607 = arith.constant 32 : index
      %swap3A_608 = tpu.vector_load %arg13[%swap3A_606, %swap3A_607] {strides = array<i32>} : memref<512x96xf32, #tpu.memory_space<vmem>>, vector<16xf32>,
      tpu.vector_store %arg13[%swap3A_606, %swap3A_607], %get3A_605 {strides = array<i32>} : memref<512x96xf32, #tpu.memory_space<vmem>>, vector<16xf32>,
      %get3A_609 = arith.index_cast %squeeze3A_600 : i32 to index
      %get3A_610 = arith.constant 16 : index
      %get3A_611 = tpu.vector_load %arg11[%get3A_609, %get3A_610] {strides = array<i32>} : memref<32x32xf32, #tpu.memory_space<vmem>>, vector<16xf32>,
      %swap3A_612 = arith.index_cast %add3A_602 : i32 to index
      %swap3A_613 = arith.constant 48 : index
      %swap3A_614 = tpu.vector_load %arg13[%swap3A_612, %swap3A_613] {strides = array<i32>} : memref<512x96xf32, #tpu.memory_space<vmem>>, vector<16xf32>,
      tpu.vector_store %arg13[%swap3A_612, %swap3A_613], %get3A_611 {strides = array<i32>} : memref<512x96xf32, #tpu.memory_space<vmem>>, vector<16xf32>,
      %get3A_615 = arith.constant 2 : i32
      %get3A_616 = arith.index_cast %get3A_615 : i32 to index
      %get3A_617 = arith.index_cast %mul3A_98 : i32 to index
      %get3A_618 = tpu.vector_load %arg9[%get3A_616, %get3A_617] {strides = array<i32>} : memref<3x512xi32, #tpu.memory_space<vmem>>, vector<16xi32>,
      %slice3A_619 = vector.extract_strided_slice %get3A_618 {offsets = [0], sizes = [1], strides = [1]} : vector<16xi32> to vector<1xi32>
      %squeeze3A_620 = vector.extract %slice3A_619[0] : i32 from vector<1xi32>
      %add3A_621 = arith.constant 0 : i32
      %add3A_622 = arith.addi %mul3A_98, %add3A_621 : i32
      %get3A_623 = arith.index_cast %squeeze3A_620 : i32 to index
      %get3A_624 = arith.constant 0 : index
      %get3A_625 = tpu.vector_load %arg12[%get3A_623, %get3A_624] {strides = array<i32>} : memref<32x32xf32, #tpu.memory_space<vmem>>, vector<16xf32>,
      %swap3A_626 = arith.index_cast %add3A_622 : i32 to index
      %swap3A_627 = arith.constant 64 : index
      %swap3A_628 = tpu.vector_load %arg13[%swap3A_626, %swap3A_627] {strides = array<i32>} : memref<512x96xf32, #tpu.memory_space<vmem>>, vector<16xf32>,
      tpu.vector_store %arg13[%swap3A_626, %swap3A_627], %get3A_625 {strides = array<i32>} : memref<512x96xf32, #tpu.memory_space<vmem>>, vector<16xf32>,
      %get3A_629 = arith.index_cast %squeeze3A_620 : i32 to index
      %get3A_630 = arith.constant 16 : index
      %get3A_631 = tpu.vector_load %arg12[%get3A_629, %get3A_630] {strides = array<i32>} : memref<32x32xf32, #tpu.memory_space<vmem>>, vector<16xf32>,
      %swap3A_632 = arith.index_cast %add3A_622 : i32 to index
      %swap3A_633 = arith.constant 80 : index
      %swap3A_634 = tpu.vector_load %arg13[%swap3A_632, %swap3A_633] {strides = array<i32>} : memref<512x96xf32, #tpu.memory_space<vmem>>, vector<16xf32>,
      tpu.vector_store %arg13[%swap3A_632, %swap3A_633], %get3A_631 {strides = array<i32>} : memref<512x96xf32, #tpu.memory_space<vmem>>, vector<16xf32>,
      %slice3A_635 = vector.extract_strided_slice %get3A_618 {offsets = [1], sizes = [1], strides = [1]} : vector<16xi32> to vector<1xi32>
      %squeeze3A_636 = vector.extract %slice3A_635[0] : i32 from vector<1xi32>
      %add3A_637 = arith.constant 1 : i32
      %add3A_638 = arith.addi %mul3A_98, %add3A_637 : i32
      %get3A_639 = arith.index_cast %squeeze3A_636 : i32 to index
      %get3A_640 = arith.constant 0 : index
      %get3A_641 = tpu.vector_load %arg12[%get3A_639, %get3A_640] {strides = array<i32>} : memref<32x32xf32, #tpu.memory_space<vmem>>, vector<16xf32>,
      %swap3A_642 = arith.index_cast %add3A_638 : i32 to index
      %swap3A_643 = arith.constant 64 : index
      %swap3A_644 = tpu.vector_load %arg13[%swap3A_642, %swap3A_643] {strides = array<i32>} : memref<512x96xf32, #tpu.memory_space<vmem>>, vector<16xf32>,
      tpu.vector_store %arg13[%swap3A_642, %swap3A_643], %get3A_641 {strides = array<i32>} : memref<512x96xf32, #tpu.memory_space<vmem>>, vector<16xf32>,
      %get3A_645 = arith.index_cast %squeeze3A_636 : i32 to index
      %get3A_646 = arith.constant 16 : index
      %get3A_647 = tpu.vector_load %arg12[%get3A_645, %get3A_646] {strides = array<i32>} : memref<32x32xf32, #tpu.memory_space<vmem>>, vector<16xf32>,
      %swap3A_648 = arith.index_cast %add3A_638 : i32 to index
      %swap3A_649 = arith.constant 80 : index
      %swap3A_650 = tpu.vector_load %arg13[%swap3A_648, %swap3A_649] {strides = array<i32>} : memref<512x96xf32, #tpu.memory_space<vmem>>, vector<16xf32>,
      tpu.vector_store %arg13[%swap3A_648, %swap3A_649], %get3A_647 {strides = array<i32>} : memref<512x96xf32, #tpu.memory_space<vmem>>, vector<16xf32>,
      %slice3A_651 = vector.extract_strided_slice %get3A_618 {offsets = [2], sizes = [1], strides = [1]} : vector<16xi32> to vector<1xi32>
      %squeeze3A_652 = vector.extract %slice3A_651[0] : i32 from vector<1xi32>
      %add3A_653 = arith.constant 2 : i32
      %add3A_654 = arith.addi %mul3A_98, %add3A_653 : i32
      %get3A_655 = arith.index_cast %squeeze3A_652 : i32 to index
      %get3A_656 = arith.constant 0 : index
      %get3A_657 = tpu.vector_load %arg12[%get3A_655, %get3A_656] {strides = array<i32>} : memref<32x32xf32, #tpu.memory_space<vmem>>, vector<16xf32>,
      %swap3A_658 = arith.index_cast %add3A_654 : i32 to index
      %swap3A_659 = arith.constant 64 : index
      %swap3A_660 = tpu.vector_load %arg13[%swap3A_658, %swap3A_659] {strides = array<i32>} : memref<512x96xf32, #tpu.memory_space<vmem>>, vector<16xf32>,
      tpu.vector_store %arg13[%swap3A_658, %swap3A_659], %get3A_657 {strides = array<i32>} : memref<512x96xf32, #tpu.memory_space<vmem>>, vector<16xf32>,
      %get3A_661 = arith.index_cast %squeeze3A_652 : i32 to index
      %get3A_662 = arith.constant 16 : index
      %get3A_663 = tpu.vector_load %arg12[%get3A_661, %get3A_662] {strides = array<i32>} : memref<32x32xf32, #tpu.memory_space<vmem>>, vector<16xf32>,
      %swap3A_664 = arith.index_cast %add3A_654 : i32 to index
      %swap3A_665 = arith.constant 80 : index
      %swap3A_666 = tpu.vector_load %arg13[%swap3A_664, %swap3A_665] {strides = array<i32>} : memref<512x96xf32, #tpu.memory_space<vmem>>, vector<16xf32>,
      tpu.vector_store %arg13[%swap3A_664, %swap3A_665], %get3A_663 {strides = array<i32>} : memref<512x96xf32, #tpu.memory_space<vmem>>, vector<16xf32>,
      %slice3A_667 = vector.extract_strided_slice %get3A_618 {offsets = [3], sizes = [1], strides = [1]} : vector<16xi32> to vector<1xi32>
      %squeeze3A_668 = vector.extract %slice3A_667[0] : i32 from vector<1xi32>
      %add3A_669 = arith.constant 3 : i32
      %add3A_670 = arith.addi %mul3A_98, %add3A_669 : i32
      %get3A_671 = arith.index_cast %squeeze3A_668 : i32 to index
      %get3A_672 = arith.constant 0 : index
      %get3A_673 = tpu.vector_load %arg12[%get3A_671, %get3A_672] {strides = array<i32>} : memref<32x32xf32, #tpu.memory_space<vmem>>, vector<16xf32>,
      %swap3A_674 = arith.index_cast %add3A_670 : i32 to index
      %swap3A_675 = arith.constant 64 : index
      %swap3A_676 = tpu.vector_load %arg13[%swap3A_674, %swap3A_675] {strides = array<i32>} : memref<512x96xf32, #tpu.memory_space<vmem>>, vector<16xf32>,
      tpu.vector_store %arg13[%swap3A_674, %swap3A_675], %get3A_673 {strides = array<i32>} : memref<512x96xf32, #tpu.memory_space<vmem>>, vector<16xf32>,
      %get3A_677 = arith.index_cast %squeeze3A_668 : i32 to index
      %get3A_678 = arith.constant 16 : index
      %get3A_679 = tpu.vector_load %arg12[%get3A_677, %get3A_678] {strides = array<i32>} : memref<32x32xf32, #tpu.memory_space<vmem>>, vector<16xf32>,
      %swap3A_680 = arith.index_cast %add3A_670 : i32 to index
      %swap3A_681 = arith.constant 80 : index
      %swap3A_682 = tpu.vector_load %arg13[%swap3A_680, %swap3A_681] {strides = array<i32>} : memref<512x96xf32, #tpu.memory_space<vmem>>, vector<16xf32>,
      tpu.vector_store %arg13[%swap3A_680, %swap3A_681], %get3A_679 {strides = array<i32>} : memref<512x96xf32, #tpu.memory_space<vmem>>, vector<16xf32>,
      %slice3A_683 = vector.extract_strided_slice %get3A_618 {offsets = [4], sizes = [1], strides = [1]} : vector<16xi32> to vector<1xi32>
      %squeeze3A_684 = vector.extract %slice3A_683[0] : i32 from vector<1xi32>
      %add3A_685 = arith.constant 4 : i32
      %add3A_686 = arith.addi %mul3A_98, %add3A_685 : i32
      %get3A_687 = arith.index_cast %squeeze3A_684 : i32 to index
      %get3A_688 = arith.constant 0 : index
      %get3A_689 = tpu.vector_load %arg12[%get3A_687, %get3A_688] {strides = array<i32>} : memref<32x32xf32, #tpu.memory_space<vmem>>, vector<16xf32>,
      %swap3A_690 = arith.index_cast %add3A_686 : i32 to index
      %swap3A_691 = arith.constant 64 : index
      %swap3A_692 = tpu.vector_load %arg13[%swap3A_690, %swap3A_691] {strides = array<i32>} : memref<512x96xf32, #tpu.memory_space<vmem>>, vector<16xf32>,
      tpu.vector_store %arg13[%swap3A_690, %swap3A_691], %get3A_689 {strides = array<i32>} : memref<512x96xf32, #tpu.memory_space<vmem>>, vector<16xf32>,
      %get3A_693 = arith.index_cast %squeeze3A_684 : i32 to index
      %get3A_694 = arith.constant 16 : index
      %get3A_695 = tpu.vector_load %arg12[%get3A_693, %get3A_694] {strides = array<i32>} : memref<32x32xf32, #tpu.memory_space<vmem>>, vector<16xf32>,
      %swap3A_696 = arith.index_cast %add3A_686 : i32 to index
      %swap3A_697 = arith.constant 80 : index
      %swap3A_698 = tpu.vector_load %arg13[%swap3A_696, %swap3A_697] {strides = array<i32>} : memref<512x96xf32, #tpu.memory_space<vmem>>, vector<16xf32>,
      tpu.vector_store %arg13[%swap3A_696, %swap3A_697], %get3A_695 {strides = array<i32>} : memref<512x96xf32, #tpu.memory_space<vmem>>, vector<16xf32>,
      %slice3A_699 = vector.extract_strided_slice %get3A_618 {offsets = [5], sizes = [1], strides = [1]} : vector<16xi32> to vector<1xi32>
      %squeeze3A_700 = vector.extract %slice3A_699[0] : i32 from vector<1xi32>
      %add3A_701 = arith.constant 5 : i32
      %add3A_702 = arith.addi %mul3A_98, %add3A_701 : i32
      %get3A_703 = arith.index_cast %squeeze3A_700 : i32 to index
      %get3A_704 = arith.constant 0 : index
      %get3A_705 = tpu.vector_load %arg12[%get3A_703, %get3A_704] {strides = array<i32>} : memref<32x32xf32, #tpu.memory_space<vmem>>, vector<16xf32>,
      %swap3A_706 = arith.index_cast %add3A_702 : i32 to index
      %swap3A_707 = arith.constant 64 : index
      %swap3A_708 = tpu.vector_load %arg13[%swap3A_706, %swap3A_707] {strides = array<i32>} : memref<512x96xf32, #tpu.memory_space<vmem>>, vector<16xf32>,
      tpu.vector_store %arg13[%swap3A_706, %swap3A_707], %get3A_705 {strides = array<i32>} : memref<512x96xf32, #tpu.memory_space<vmem>>, vector<16xf32>,
      %get3A_709 = arith.index_cast %squeeze3A_700 : i32 to index
      %get3A_710 = arith.constant 16 : index
      %get3A_711 = tpu.vector_load %arg12[%get3A_709, %get3A_710] {strides = array<i32>} : memref<32x32xf32, #tpu.memory_space<vmem>>, vector<16xf32>,
      %swap3A_712 = arith.index_cast %add3A_702 : i32 to index
      %swap3A_713 = arith.constant 80 : index
      %swap3A_714 = tpu.vector_load %arg13[%swap3A_712, %swap3A_713] {strides = array<i32>} : memref<512x96xf32, #tpu.memory_space<vmem>>, vector<16xf32>,
      tpu.vector_store %arg13[%swap3A_712, %swap3A_713], %get3A_711 {strides = array<i32>} : memref<512x96xf32, #tpu.memory_space<vmem>>, vector<16xf32>,
      %slice3A_715 = vector.extract_strided_slice %get3A_618 {offsets = [6], sizes = [1], strides = [1]} : vector<16xi32> to vector<1xi32>
      %squeeze3A_716 = vector.extract %slice3A_715[0] : i32 from vector<1xi32>
      %add3A_717 = arith.constant 6 : i32
      %add3A_718 = arith.addi %mul3A_98, %add3A_717 : i32
      %get3A_719 = arith.index_cast %squeeze3A_716 : i32 to index
      %get3A_720 = arith.constant 0 : index
      %get3A_721 = tpu.vector_load %arg12[%get3A_719, %get3A_720] {strides = array<i32>} : memref<32x32xf32, #tpu.memory_space<vmem>>, vector<16xf32>,
      %swap3A_722 = arith.index_cast %add3A_718 : i32 to index
      %swap3A_723 = arith.constant 64 : index
      %swap3A_724 = tpu.vector_load %arg13[%swap3A_722, %swap3A_723] {strides = array<i32>} : memref<512x96xf32, #tpu.memory_space<vmem>>, vector<16xf32>,
      tpu.vector_store %arg13[%swap3A_722, %swap3A_723], %get3A_721 {strides = array<i32>} : memref<512x96xf32, #tpu.memory_space<vmem>>, vector<16xf32>,
      %get3A_725 = arith.index_cast %squeeze3A_716 : i32 to index
      %get3A_726 = arith.constant 16 : index
      %get3A_727 = tpu.vector_load %arg12[%get3A_725, %get3A_726] {strides = array<i32>} : memref<32x32xf32, #tpu.memory_space<vmem>>, vector<16xf32>,
      %swap3A_728 = arith.index_cast %add3A_718 : i32 to index
      %swap3A_729 = arith.constant 80 : index
      %swap3A_730 = tpu.vector_load %arg13[%swap3A_728, %swap3A_729] {strides = array<i32>} : memref<512x96xf32, #tpu.memory_space<vmem>>, vector<16xf32>,
      tpu.vector_store %arg13[%swap3A_728, %swap3A_729], %get3A_727 {strides = array<i32>} : memref<512x96xf32, #tpu.memory_space<vmem>>, vector<16xf32>,
      %slice3A_731 = vector.extract_strided_slice %get3A_618 {offsets = [7], sizes = [1], strides = [1]} : vector<16xi32> to vector<1xi32>
      %squeeze3A_732 = vector.extract %slice3A_731[0] : i32 from vector<1xi32>
      %add3A_733 = arith.constant 7 : i32
      %add3A_734 = arith.addi %mul3A_98, %add3A_733 : i32
      %get3A_735 = arith.index_cast %squeeze3A_732 : i32 to index
      %get3A_736 = arith.constant 0 : index
      %get3A_737 = tpu.vector_load %arg12[%get3A_735, %get3A_736] {strides = array<i32>} : memref<32x32xf32, #tpu.memory_space<vmem>>, vector<16xf32>,
      %swap3A_738 = arith.index_cast %add3A_734 : i32 to index
      %swap3A_739 = arith.constant 64 : index
      %swap3A_740 = tpu.vector_load %arg13[%swap3A_738, %swap3A_739] {strides = array<i32>} : memref<512x96xf32, #tpu.memory_space<vmem>>, vector<16xf32>,
      tpu.vector_store %arg13[%swap3A_738, %swap3A_739], %get3A_737 {strides = array<i32>} : memref<512x96xf32, #tpu.memory_space<vmem>>, vector<16xf32>,
      %get3A_741 = arith.index_cast %squeeze3A_732 : i32 to index
      %get3A_742 = arith.constant 16 : index
      %get3A_743 = tpu.vector_load %arg12[%get3A_741, %get3A_742] {strides = array<i32>} : memref<32x32xf32, #tpu.memory_space<vmem>>, vector<16xf32>,
      %swap3A_744 = arith.index_cast %add3A_734 : i32 to index
      %swap3A_745 = arith.constant 80 : index
      %swap3A_746 = tpu.vector_load %arg13[%swap3A_744, %swap3A_745] {strides = array<i32>} : memref<512x96xf32, #tpu.memory_space<vmem>>, vector<16xf32>,
      tpu.vector_store %arg13[%swap3A_744, %swap3A_745], %get3A_743 {strides = array<i32>} : memref<512x96xf32, #tpu.memory_space<vmem>>, vector<16xf32>,
      %slice3A_747 = vector.extract_strided_slice %get3A_618 {offsets = [8], sizes = [1], strides = [1]} : vector<16xi32> to vector<1xi32>
      %squeeze3A_748 = vector.extract %slice3A_747[0] : i32 from vector<1xi32>
      %add3A_749 = arith.constant 8 : i32
      %add3A_750 = arith.addi %mul3A_98, %add3A_749 : i32
      %get3A_751 = arith.index_cast %squeeze3A_748 : i32 to index
      %get3A_752 = arith.constant 0 : index
      %get3A_753 = tpu.vector_load %arg12[%get3A_751, %get3A_752] {strides = array<i32>} : memref<32x32xf32, #tpu.memory_space<vmem>>, vector<16xf32>,
      %swap3A_754 = arith.index_cast %add3A_750 : i32 to index
      %swap3A_755 = arith.constant 64 : index
      %swap3A_756 = tpu.vector_load %arg13[%swap3A_754, %swap3A_755] {strides = array<i32>} : memref<512x96xf32, #tpu.memory_space<vmem>>, vector<16xf32>,
      tpu.vector_store %arg13[%swap3A_754, %swap3A_755], %get3A_753 {strides = array<i32>} : memref<512x96xf32, #tpu.memory_space<vmem>>, vector<16xf32>,
      %get3A_757 = arith.index_cast %squeeze3A_748 : i32 to index
      %get3A_758 = arith.constant 16 : index
      %get3A_759 = tpu.vector_load %arg12[%get3A_757, %get3A_758] {strides = array<i32>} : memref<32x32xf32, #tpu.memory_space<vmem>>, vector<16xf32>,
      %swap3A_760 = arith.index_cast %add3A_750 : i32 to index
      %swap3A_761 = arith.constant 80 : index
      %swap3A_762 = tpu.vector_load %arg13[%swap3A_760, %swap3A_761] {strides = array<i32>} : memref<512x96xf32, #tpu.memory_space<vmem>>, vector<16xf32>,
      tpu.vector_store %arg13[%swap3A_760, %swap3A_761], %get3A_759 {strides = array<i32>} : memref<512x96xf32, #tpu.memory_space<vmem>>, vector<16xf32>,
      %slice3A_763 = vector.extract_strided_slice %get3A_618 {offsets = [9], sizes = [1], strides = [1]} : vector<16xi32> to vector<1xi32>
      %squeeze3A_764 = vector.extract %slice3A_763[0] : i32 from vector<1xi32>
      %add3A_765 = arith.constant 9 : i32
      %add3A_766 = arith.addi %mul3A_98, %add3A_765 : i32
      %get3A_767 = arith.index_cast %squeeze3A_764 : i32 to index
      %get3A_768 = arith.constant 0 : index
      %get3A_769 = tpu.vector_load %arg12[%get3A_767, %get3A_768] {strides = array<i32>} : memref<32x32xf32, #tpu.memory_space<vmem>>, vector<16xf32>,
      %swap3A_770 = arith.index_cast %add3A_766 : i32 to index
      %swap3A_771 = arith.constant 64 : index
      %swap3A_772 = tpu.vector_load %arg13[%swap3A_770, %swap3A_771] {strides = array<i32>} : memref<512x96xf32, #tpu.memory_space<vmem>>, vector<16xf32>,
      tpu.vector_store %arg13[%swap3A_770, %swap3A_771], %get3A_769 {strides = array<i32>} : memref<512x96xf32, #tpu.memory_space<vmem>>, vector<16xf32>,
      %get3A_773 = arith.index_cast %squeeze3A_764 : i32 to index
      %get3A_774 = arith.constant 16 : index
      %get3A_775 = tpu.vector_load %arg12[%get3A_773, %get3A_774] {strides = array<i32>} : memref<32x32xf32, #tpu.memory_space<vmem>>, vector<16xf32>,
      %swap3A_776 = arith.index_cast %add3A_766 : i32 to index
      %swap3A_777 = arith.constant 80 : index
      %swap3A_778 = tpu.vector_load %arg13[%swap3A_776, %swap3A_777] {strides = array<i32>} : memref<512x96xf32, #tpu.memory_space<vmem>>, vector<16xf32>,
      tpu.vector_store %arg13[%swap3A_776, %swap3A_777], %get3A_775 {strides = array<i32>} : memref<512x96xf32, #tpu.memory_space<vmem>>, vector<16xf32>,
      %slice3A_779 = vector.extract_strided_slice %get3A_618 {offsets = [10], sizes = [1], strides = [1]} : vector<16xi32> to vector<1xi32>
      %squeeze3A_780 = vector.extract %slice3A_779[0] : i32 from vector<1xi32>
      %add3A_781 = arith.constant 10 : i32
      %add3A_782 = arith.addi %mul3A_98, %add3A_781 : i32
      %get3A_783 = arith.index_cast %squeeze3A_780 : i32 to index
      %get3A_784 = arith.constant 0 : index
      %get3A_785 = tpu.vector_load %arg12[%get3A_783, %get3A_784] {strides = array<i32>} : memref<32x32xf32, #tpu.memory_space<vmem>>, vector<16xf32>,
      %swap3A_786 = arith.index_cast %add3A_782 : i32 to index
      %swap3A_787 = arith.constant 64 : index
      %swap3A_788 = tpu.vector_load %arg13[%swap3A_786, %swap3A_787] {strides = array<i32>} : memref<512x96xf32, #tpu.memory_space<vmem>>, vector<16xf32>,
      tpu.vector_store %arg13[%swap3A_786, %swap3A_787], %get3A_785 {strides = array<i32>} : memref<512x96xf32, #tpu.memory_space<vmem>>, vector<16xf32>,
      %get3A_789 = arith.index_cast %squeeze3A_780 : i32 to index
      %get3A_790 = arith.constant 16 : index
      %get3A_791 = tpu.vector_load %arg12[%get3A_789, %get3A_790] {strides = array<i32>} : memref<32x32xf32, #tpu.memory_space<vmem>>, vector<16xf32>,
      %swap3A_792 = arith.index_cast %add3A_782 : i32 to index
      %swap3A_793 = arith.constant 80 : index
      %swap3A_794 = tpu.vector_load %arg13[%swap3A_792, %swap3A_793] {strides = array<i32>} : memref<512x96xf32, #tpu.memory_space<vmem>>, vector<16xf32>,
      tpu.vector_store %arg13[%swap3A_792, %swap3A_793], %get3A_791 {strides = array<i32>} : memref<512x96xf32, #tpu.memory_space<vmem>>, vector<16xf32>,
      %slice3A_795 = vector.extract_strided_slice %get3A_618 {offsets = [11], sizes = [1], strides = [1]} : vector<16xi32> to vector<1xi32>
      %squeeze3A_796 = vector.extract %slice3A_795[0] : i32 from vector<1xi32>
      %add3A_797 = arith.constant 11 : i32
      %add3A_798 = arith.addi %mul3A_98, %add3A_797 : i32
      %get3A_799 = arith.index_cast %squeeze3A_796 : i32 to index
      %get3A_800 = arith.constant 0 : index
      %get3A_801 = tpu.vector_load %arg12[%get3A_799, %get3A_800] {strides = array<i32>} : memref<32x32xf32, #tpu.memory_space<vmem>>, vector<16xf32>,
      %swap3A_802 = arith.index_cast %add3A_798 : i32 to index
      %swap3A_803 = arith.constant 64 : index
      %swap3A_804 = tpu.vector_load %arg13[%swap3A_802, %swap3A_803] {strides = array<i32>} : memref<512x96xf32, #tpu.memory_space<vmem>>, vector<16xf32>,
      tpu.vector_store %arg13[%swap3A_802, %swap3A_803], %get3A_801 {strides = array<i32>} : memref<512x96xf32, #tpu.memory_space<vmem>>, vector<16xf32>,
      %get3A_805 = arith.index_cast %squeeze3A_796 : i32 to index
      %get3A_806 = arith.constant 16 : index
      %get3A_807 = tpu.vector_load %arg12[%get3A_805, %get3A_806] {strides = array<i32>} : memref<32x32xf32, #tpu.memory_space<vmem>>, vector<16xf32>,
      %swap3A_808 = arith.index_cast %add3A_798 : i32 to index
      %swap3A_809 = arith.constant 80 : index
      %swap3A_810 = tpu.vector_load %arg13[%swap3A_808, %swap3A_809] {strides = array<i32>} : memref<512x96xf32, #tpu.memory_space<vmem>>, vector<16xf32>,
      tpu.vector_store %arg13[%swap3A_808, %swap3A_809], %get3A_807 {strides = array<i32>} : memref<512x96xf32, #tpu.memory_space<vmem>>, vector<16xf32>,
      %slice3A_811 = vector.extract_strided_slice %get3A_618 {offsets = [12], sizes = [1], strides = [1]} : vector<16xi32> to vector<1xi32>
      %squeeze3A_812 = vector.extract %slice3A_811[0] : i32 from vector<1xi32>
      %add3A_813 = arith.constant 12 : i32
      %add3A_814 = arith.addi %mul3A_98, %add3A_813 : i32
      %get3A_815 = arith.index_cast %squeeze3A_812 : i32 to index
      %get3A_816 = arith.constant 0 : index
      %get3A_817 = tpu.vector_load %arg12[%get3A_815, %get3A_816] {strides = array<i32>} : memref<32x32xf32, #tpu.memory_space<vmem>>, vector<16xf32>,
      %swap3A_818 = arith.index_cast %add3A_814 : i32 to index
      %swap3A_819 = arith.constant 64 : index
      %swap3A_820 = tpu.vector_load %arg13[%swap3A_818, %swap3A_819] {strides = array<i32>} : memref<512x96xf32, #tpu.memory_space<vmem>>, vector<16xf32>,
      tpu.vector_store %arg13[%swap3A_818, %swap3A_819], %get3A_817 {strides = array<i32>} : memref<512x96xf32, #tpu.memory_space<vmem>>, vector<16xf32>,
      %get3A_821 = arith.index_cast %squeeze3A_812 : i32 to index
      %get3A_822 = arith.constant 16 : index
      %get3A_823 = tpu.vector_load %arg12[%get3A_821, %get3A_822] {strides = array<i32>} : memref<32x32xf32, #tpu.memory_space<vmem>>, vector<16xf32>,
      %swap3A_824 = arith.index_cast %add3A_814 : i32 to index
      %swap3A_825 = arith.constant 80 : index
      %swap3A_826 = tpu.vector_load %arg13[%swap3A_824, %swap3A_825] {strides = array<i32>} : memref<512x96xf32, #tpu.memory_space<vmem>>, vector<16xf32>,
      tpu.vector_store %arg13[%swap3A_824, %swap3A_825], %get3A_823 {strides = array<i32>} : memref<512x96xf32, #tpu.memory_space<vmem>>, vector<16xf32>,
      %slice3A_827 = vector.extract_strided_slice %get3A_618 {offsets = [13], sizes = [1], strides = [1]} : vector<16xi32> to vector<1xi32>
      %squeeze3A_828 = vector.extract %slice3A_827[0] : i32 from vector<1xi32>
      %add3A_829 = arith.constant 13 : i32
      %add3A_830 = arith.addi %mul3A_98, %add3A_829 : i32
      %get3A_831 = arith.index_cast %squeeze3A_828 : i32 to index
      %get3A_832 = arith.constant 0 : index
      %get3A_833 = tpu.vector_load %arg12[%get3A_831, %get3A_832] {strides = array<i32>} : memref<32x32xf32, #tpu.memory_space<vmem>>, vector<16xf32>,
      %swap3A_834 = arith.index_cast %add3A_830 : i32 to index
      %swap3A_835 = arith.constant 64 : index
      %swap3A_836 = tpu.vector_load %arg13[%swap3A_834, %swap3A_835] {strides = array<i32>} : memref<512x96xf32, #tpu.memory_space<vmem>>, vector<16xf32>,
      tpu.vector_store %arg13[%swap3A_834, %swap3A_835], %get3A_833 {strides = array<i32>} : memref<512x96xf32, #tpu.memory_space<vmem>>, vector<16xf32>,
      %get3A_837 = arith.index_cast %squeeze3A_828 : i32 to index
      %get3A_838 = arith.constant 16 : index
      %get3A_839 = tpu.vector_load %arg12[%get3A_837, %get3A_838] {strides = array<i32>} : memref<32x32xf32, #tpu.memory_space<vmem>>, vector<16xf32>,
      %swap3A_840 = arith.index_cast %add3A_830 : i32 to index
      %swap3A_841 = arith.constant 80 : index
      %swap3A_842 = tpu.vector_load %arg13[%swap3A_840, %swap3A_841] {strides = array<i32>} : memref<512x96xf32, #tpu.memory_space<vmem>>, vector<16xf32>,
      tpu.vector_store %arg13[%swap3A_840, %swap3A_841], %get3A_839 {strides = array<i32>} : memref<512x96xf32, #tpu.memory_space<vmem>>, vector<16xf32>,
      %slice3A_843 = vector.extract_strided_slice %get3A_618 {offsets = [14], sizes = [1], strides = [1]} : vector<16xi32> to vector<1xi32>
      %squeeze3A_844 = vector.extract %slice3A_843[0] : i32 from vector<1xi32>
      %add3A_845 = arith.constant 14 : i32
      %add3A_846 = arith.addi %mul3A_98, %add3A_845 : i32
      %get3A_847 = arith.index_cast %squeeze3A_844 : i32 to index
      %get3A_848 = arith.constant 0 : index
      %get3A_849 = tpu.vector_load %arg12[%get3A_847, %get3A_848] {strides = array<i32>} : memref<32x32xf32, #tpu.memory_space<vmem>>, vector<16xf32>,
      %swap3A_850 = arith.index_cast %add3A_846 : i32 to index
      %swap3A_851 = arith.constant 64 : index
      %swap3A_852 = tpu.vector_load %arg13[%swap3A_850, %swap3A_851] {strides = array<i32>} : memref<512x96xf32, #tpu.memory_space<vmem>>, vector<16xf32>,
      tpu.vector_store %arg13[%swap3A_850, %swap3A_851], %get3A_849 {strides = array<i32>} : memref<512x96xf32, #tpu.memory_space<vmem>>, vector<16xf32>,
      %get3A_853 = arith.index_cast %squeeze3A_844 : i32 to index
      %get3A_854 = arith.constant 16 : index
      %get3A_855 = tpu.vector_load %arg12[%get3A_853, %get3A_854] {strides = array<i32>} : memref<32x32xf32, #tpu.memory_space<vmem>>, vector<16xf32>,
      %swap3A_856 = arith.index_cast %add3A_846 : i32 to index
      %swap3A_857 = arith.constant 80 : index
      %swap3A_858 = tpu.vector_load %arg13[%swap3A_856, %swap3A_857] {strides = array<i32>} : memref<512x96xf32, #tpu.memory_space<vmem>>, vector<16xf32>,
      tpu.vector_store %arg13[%swap3A_856, %swap3A_857], %get3A_855 {strides = array<i32>} : memref<512x96xf32, #tpu.memory_space<vmem>>, vector<16xf32>,
      %slice3A_859 = vector.extract_strided_slice %get3A_618 {offsets = [15], sizes = [1], strides = [1]} : vector<16xi32> to vector<1xi32>
      %squeeze3A_860 = vector.extract %slice3A_859[0] : i32 from vector<1xi32>
      %add3A_861 = arith.constant 15 : i32
      %add3A_862 = arith.addi %mul3A_98, %add3A_861 : i32
      %get3A_863 = arith.index_cast %squeeze3A_860 : i32 to index
      %get3A_864 = arith.constant 0 : index
      %get3A_865 = tpu.vector_load %arg12[%get3A_863, %get3A_864] {strides = array<i32>} : memref<32x32xf32, #tpu.memory_space<vmem>>, vector<16xf32>,
      %swap3A_866 = arith.index_cast %add3A_862 : i32 to index
      %swap3A_867 = arith.constant 64 : index
      %swap3A_868 = tpu.vector_load %arg13[%swap3A_866, %swap3A_867] {strides = array<i32>} : memref<512x96xf32, #tpu.memory_space<vmem>>, vector<16xf32>,
      tpu.vector_store %arg13[%swap3A_866, %swap3A_867], %get3A_865 {strides = array<i32>} : memref<512x96xf32, #tpu.memory_space<vmem>>, vector<16xf32>,
      %get3A_869 = arith.index_cast %squeeze3A_860 : i32 to index
      %get3A_870 = arith.constant 16 : index
      %get3A_871 = tpu.vector_load %arg12[%get3A_869, %get3A_870] {strides = array<i32>} : memref<32x32xf32, #tpu.memory_space<vmem>>, vector<16xf32>,
      %swap3A_872 = arith.index_cast %add3A_862 : i32 to index
      %swap3A_873 = arith.constant 80 : index
      %swap3A_874 = tpu.vector_load %arg13[%swap3A_872, %swap3A_873] {strides = array<i32>} : memref<512x96xf32, #tpu.memory_space<vmem>>, vector<16xf32>,
      tpu.vector_store %arg13[%swap3A_872, %swap3A_873], %get3A_871 {strides = array<i32>} : memref<512x96xf32, #tpu.memory_space<vmem>>, vector<16xf32>,
    }
    %scan3A_95 = arith.constant 32 : i32
    "tpu.region"() ({
      %run_scoped3A = tpu.sem_alloc : memref<!tpu.dma_semaphore, #tpu.memory_space<semaphore_mem>>
      %dma_start3A_96 = arith.constant 0 : i32
      %dma_start3A_97 = tpu.memref_slice %arg8[%mul3A_2, %dma_start3A_96] : memref<16384x96xf32, #tpu.memory_space<hbm>> -> memref<512x96xf32, #tpu.memory_space<hbm>>
      %dma_start3A_98 = arith.constant 0 : i32
      %dma_start3A_99 = tpu.memref_slice %arg8[%mul3A_2, %dma_start3A_98] : memref<16384x96xf32, #tpu.memory_space<hbm>> -> memref<512x96xf32, #tpu.memory_space<hbm>>
      tpu.enqueue_dma source(%arg13 : memref<512x96xf32, #tpu.memory_space<vmem>>) target(%dma_start3A_99 : memref<512x96xf32, #tpu.memory_space<hbm>>) target_semaphore(%run_scoped3A : memref<!tpu.dma_semaphore, #tpu.memory_space<semaphore_mem>>)
      %dma_wait3A_100 = arith.constant 0 : i32
      %dma_wait3A_101 = tpu.memref_slice %arg8[%mul3A_2, %dma_wait3A_100] : memref<16384x96xf32, #tpu.memory_space<hbm>> -> memref<512x96xf32, #tpu.memory_space<hbm>>
      %dma_wait3A_102 = arith.constant 0 : i32
      %dma_wait3A_103 = tpu.memref_slice %arg8[%mul3A_2, %dma_wait3A_102] : memref<16384x96xf32, #tpu.memory_space<hbm>> -> memref<512x96xf32, #tpu.memory_space<hbm>>
      tpu.wait_dma2 semaphore(%run_scoped3A : memref<!tpu.dma_semaphore, #tpu.memory_space<semaphore_mem>>) src(%arg13 : memref<512x96xf32, #tpu.memory_space<vmem>>) dst(%dma_wait3A_103 : memref<512x96xf32, #tpu.memory_space<hbm>>)
      tpu.yield
    }) : () -> ()
    return
  }
}

</mosaic_0001>

<sc_bundles>
// kernel: kernel.4.cloned.1.call-start
scs
__scs_entry_jumppad:
0x0: {  	(pc) =	sbr.rel $0x88, $3  }
0x1: {  	(tag) =	ssettag $0x0;
	lr =	simm.s32 $0x1  }
0x2: {  	[smem:$0x3F99] =	sst lr;
	_ =	strace $0xD0000000  }
0x3: {  	_ = 	snop  }
0x4: {  	_ = 	snop  }
0x5: {  	_ = 	snop  }
0x6: {  	_ = 	snop  }
0x7: {  	_ = 	snop  }
__scs_overlays_trampoline_lowered:
0x8: {  	[smem:$0x3FA8] =	sst s0  }
0x9: {  	[smem:$0x3FA9] =	sst s1  }
0xa: {  	[smem:$0x3FAA] =	sst s2  }
0xb: {  	[smem:$0x3FAB] =	sst s3  }
0xc: {  	[smem:$0x3FAC] =	sst s4  }
0xd: {  	[smem:$0x3FAD] =	sst s5  }
0xe: {  	[smem:$0x3FAE] =	sst s6  }
0xf: {  	[smem:$0x3FAF] =	sst s7  }
0x10: {  	[smem:$0x3FB0] =	sst s8  }
0x11: {  	[smem:$0x3FB1] =	sst s9;
	s0 =	simm.s32 @!p0 $0x0  }
0x12: {  	s1 =	sld [smem:$0x3F97];
	s0 =	simm.s32 @p0 $0x1  }
0x13: {  	[smem:$0x3FB2] =	sst s0;
	s0 =	simm.s32 @!p1 $0x0  }
0x14: {  	s2 =	sld [smem:$0x3F96];
	s0 =	simm.s32 @p1 $0x1  }
0x15: {  	[smem:$0x3FB3] =	sst s0;
	s0 =	simm.s32 @!p2 $0x0  }
0x16: {  	s3 =	sld [smem:$0x3FDB];
	s0 =	simm.s32 @p2 $0x1  }
0x17: {  	s4 =	simm.s32 $0x1BF5;
	[smem:$0x3FB5] =	sst s0  }
0x18: {  	s0 =	sld [smem:$0x3F98];
	_ =	swait.ge [sflag:s4], $0x0  }
0x19: {  	s7 =	sld [smem:$0x3F99]  }
0x1a: {  	s8 =	sadd.s32 $0xFFFFE003, lr  }
0x1b: {  	s9 =	sadd.s32 $0xFFFFFEF7, lr;
	s5 =	simm.s32 $0xFFFFFFFF;
	p2 =	slt.u32 s8, $0xFFFFF086  }
0x1c: {  	p1 =	slt.u32 s9, $0xF7A;
	s5 =	simm.s32 @!p2 $0x0  }
0x1d: {  	s5 =	simm.s32 @p1 $0x1;
	p0 =	seq.s32 s7, s2  }
0x1e: {  	s7 =	smul.u32 @!p0 $0xF7A, s2;
	p2 =	seq.s32 @!p0 s5, $0x0  }
0x1f: {  	s9 =	smul.u32 $0xF7A, s1;
	s8 =	simm.s32 @!p0 $0x1BF5;
	p2 =	por !p2, p0  }
0x20: {  	[sflag:s8] =	ssyncset.s32 @!p0 $0xFFFFF086;
	s6 =	sadd.s32 @!p0 s3, s7;
	s7 =	simm.s32 @!p0 $0x108  }
0x21: {  	s3 =	sadd.s32 s3, s9;
	s6 =	sadd.s32 @!p0 $0x88, s6;
	s7 =	simm.s32 @p2 $0x1082  }
0x22: {  	[simem:s7], [sflag:s8] =	dma.local @!p0 [hbm:s6], $0xF7A  }
0x23: {  	s9 =	sor.u32 $0xD0000000, s2;
	s6 =	simm.s32 $0x108;
	_ =	swait.ge @!p0 [sflag:s8], $0x0  }
0x24: {  	s3 =	sadd.s32 $0x88, s3;
	s6 =	simm.s32 @!p1 $0x1082;
	[sflag:s4] =	ssyncset.s32 $0xFFFFF086  }
0x25: {  	[simem:s6], [sflag:s4] =	dma.local [hbm:s3], $0xF7A  }
0x26: {  	[smem:$0x3F99] =	sst s1;
	(tag) =	ssettag s2;
	_ =	strace s9  }
0x27: {  	s1 =	sld [smem:$0x3FA9]  }
0x28: {  	s2 =	sld [smem:$0x3FAA]  }
0x29: {  	s4 =	sld [smem:$0x3FAC]  }
0x2a: {  	p0 =	seq.s32 s5, $0x0;
	s5 =	sld [smem:$0x3FAD]  }
0x2b: {  	s6 =	sld [smem:$0x3FAE]  }
0x2c: {  	s7 =	sld [smem:$0x3FAF]  }
0x2d: {  	s3 =	simm.s32 $0x108;
	s8 =	sld [smem:$0x3FB0]  }
0x2e: {  	s3 =	simm.s32 @!p0 $0x1082;
	s9 =	sld [smem:$0x3FB1]  }
0x2f: {  	lr =	sadd.s32 s0, s3;
	s0 =	sld [smem:$0x3FA8]  }
0x30: {  	s3 =	sld [smem:$0x3FAB]  }
0x31: {  	[smem:$0x3FB4] =	sst s10  }
0x32: {  	s10 =	sld [smem:$0x3FB2];
	_ =	sdelay $0x3  }
0x33: {  	p0 =	seq.s32 s10, $0x1;
	s10 =	sld [smem:$0x3FB4];
	_ =	sdelay $0x3  }
0x34: {  	[smem:$0x3FB4] =	sst s10  }
0x35: {  	s10 =	sld [smem:$0x3FB3];
	_ =	sdelay $0x3  }
0x36: {  	p1 =	seq.s32 s10, $0x1;
	s10 =	sld [smem:$0x3FB4];
	_ =	sdelay $0x3  }
0x37: {  	[smem:$0x3FB4] =	sst s10  }
0x38: {  	s10 =	sld [smem:$0x3FB5]  }
0x39: {  	_ = 	snop;
	(pc) =	sbr.ind lr, $3  }
0x3a: {  	_ = 	snop  }
0x3b: {  	_ = 	snop  }
0x3c: {  	p2 =	seq.s32 s10, $0x1;
	s10 =	sld [smem:$0x3FB4]  }
0x3d: {  	_ =	shalt  }
0x3e: {  	_ =	shalt  }
0x3f: {  	_ =	shalt  }
0x40: {  	_ =	shalt  }
0x41: {  	_ =	shalt  }
0x42: {  	_ =	shalt  }
0x43: {  	_ =	shalt  }
0x44: {  	_ =	shalt  }
0x45: {  	_ =	shalt  }
0x46: {  	_ =	shalt  }
0x47: {  	_ =	shalt  }
0x48: {  	_ =	shalt  }
0x49: {  	_ =	shalt  }
0x4a: {  	_ =	shalt  }
0x4b: {  	_ =	shalt  }
0x4c: {  	_ =	shalt  }
0x4d: {  	_ =	shalt  }
0x4e: {  	_ =	shalt  }
0x4f: {  	_ =	shalt  }
0x50: {  	_ =	shalt  }
0x51: {  	_ =	shalt  }
0x52: {  	_ =	shalt  }
0x53: {  	_ =	shalt  }
0x54: {  	_ =	shalt  }
0x55: {  	_ =	shalt  }
0x56: {  	_ =	shalt  }
0x57: {  	_ =	shalt  }
0x58: {  	_ =	shalt  }
0x59: {  	_ =	shalt  }
0x5a: {  	_ =	shalt  }
0x5b: {  	_ =	shalt  }
0x5c: {  	_ =	shalt  }
0x5d: {  	_ =	shalt  }
0x5e: {  	_ =	shalt  }
0x5f: {  	_ =	shalt  }
0x60: {  	_ =	shalt  }
0x61: {  	_ =	shalt  }
0x62: {  	_ =	shalt  }
0x63: {  	_ =	shalt  }
0x64: {  	_ =	shalt  }
0x65: {  	_ =	shalt  }
0x66: {  	_ =	shalt  }
0x67: {  	_ =	shalt  }
0x68: {  	_ =	shalt  }
0x69: {  	_ =	shalt  }
0x6a: {  	_ =	shalt  }
0x6b: {  	_ =	shalt  }
0x6c: {  	_ =	shalt  }
0x6d: {  	_ =	shalt  }
0x6e: {  	_ =	shalt  }
0x6f: {  	_ =	shalt  }
0x70: {  	_ =	shalt  }
0x71: {  	_ =	shalt  }
0x72: {  	_ =	shalt  }
0x73: {  	_ =	shalt  }
0x74: {  	_ =	shalt  }
0x75: {  	_ =	shalt  }
0x76: {  	_ =	shalt  }
0x77: {  	_ =	shalt  }
0x78: {  	_ =	shalt  }
0x79: {  	_ =	shalt  }
0x7a: {  	_ =	shalt  }
0x7b: {  	_ =	shalt  }
0x7c: {  	_ =	shalt  }
0x7d: {  	_ =	shalt  }
0x7e: {  	_ =	shalt  }
0x7f: {  	_ =	shalt  }
0x80: {  	_ =	shalt  }
0x81: {  	_ =	shalt  }
0x82: {  	_ =	shalt  }
0x83: {  	_ =	shalt  }
0x84: {  	_ =	shalt  }
0x85: {  	_ =	shalt  }
0x86: {  	_ =	shalt  }
0x87: {  	_ =	shalt  }
.Lfunc_end0:
.L_simem_size_0:
called_computation_lowered:
.L_overlay_start_0:
0x88: {  	s2 =	sld [smem:$0x3FD9]  }
0x89: {  	s3 =	sld [smem:$0x3FFE];
	_ =	sdelay $0x1  }
0x8a: {  	s1 =	srdreg.scid  }
0x8b: {  	s0 =	sand.u32 $0x1, s1  }
0x8c: {  	s17 =	sshll.u32 s0, $0xA;
	s2 =	sadd.s32 s3, s2  }
0x8d: {  	s2 =	sadd.s32 s2, s17  }
0x8e: {  	[smem:$0x3FC0] =	sst s2  }
0x8f: {  	_ = 	snop  }
0x90: {  	s2 =	sld [smem:$0x3FC9]  }
0x91: {  	s18 =	sld [smem:$0x3FC8]  }
0x92: {  	s4 =	sld [smem:$0x3FC7]  }
0x93: {  	s5 =	sld [smem:$0x3FD0];
	(tm) =	ssettm $0x1  }
0x94: {  	s6 =	sld [smem:$0x3FFB];
	_ =	sdelay $0x3  }
0x95: {  	_ =	strace s6  }
0x96: {  	s6 =	sld [smem:$0x3FFC];
	_ =	sdelay $0x3  }
0x97: {  	_ =	strace s6  }
0x98: {  	s6 =	sld [smem:$0x3FFD];
	_ =	sdelay $0x3  }
0x99: {  	_ =	strace s6  }
0x9a: {  	_ =	strace $0x8FFFFFFF  }
0x9b: {  	s19 =	sld [smem:$0x3FDB];
	_ =	sdelay $0x1  }
0x9c: {  	s7 =	simm.s32 $_scs_section_size  }
0x9d: {  	s8 =	simm.s32 $_size__tile_overlayer_lowered;
	s9 =	simm.s32 $_tile_overlayer_lowered  }
0x9e: {  	s22 =	simm.s32 $0x1BFF;
	s21 =	sshll.u32 s9, $0x1;
	s6 =	sadd.s32 s7, s19  }
0x9f: {  	s10 =	simm.s32 $0x0;
	s20 =	sshll.u32 s8, $0x1;
	s8 =	sadd.s32 s21, s6  }
0xa0: {  	[timem:s10], [sflag:s22] =	dma.local [hbm:s8], s20  }
0xa1: {  	_ =	swait.ge [sflag:s22], s20  }
0xa2: {  	s7 =	ssub.s32 $0x0, s20;
	[sflag:s22] =	ssyncset.done $0x0  }
0xa3: {  	[sflag:s22] =	ssyncadd.s32 s7;
	_ =	sdelay $0x1  }
0xa4: {  	s23 =	simm.s32 $0x1B8B  }
0xa5: {  	_ =	swait.ge [sflag:s23], $0x1  }
0xa6: {  	[sflag:s23] =	ssyncset.done $0x0  }
0xa7: {  	s25 =	simm.s32 $0x1B8E;
	s24 =	sld [smem:$0x3FFE];
	[sflag:s23] =	ssyncadd.s32 $0xFFFFFFFF  }
0xa8: {  	s26 =	simm.s32 $execute0_lowered;
	[smem:$0x3FD2] =	sst s25  }
0xa9: {  	s8 =	sshll.u32 s26, $0x1;
	_ =	strace $0x80000046;
	[dreg:$0x1] =	wrdreg $0xFFFFFFFF  }
0xaa: {  	s28 =	simm.s32 $_size_execute0_lowered;
	s6 =	sadd.s32 s6, s8;
	[dreg:$0x0] =	wrdreg $0x0  }
0xab: {  	s8 =	sshll.u32 s28, $0x1;
	[dreg:$0x2] =	wrdreg s6  }
0xac: {  	[dreg:$0x3] =	wrdreg s8  }
0xad: {  	[dreg:$0x4] =	wrdreg $0xC0  }
0xae: {  	_ =	task [dreg:s10], $0x5FFFF  }
0xaf: {  	[dreg:$0x1] =	wrdreg $0xFFFFFFFF  }
0xb0: {  	[dreg:$0x0] =	wrdreg $0x60  }
0xb1: {  	[dreg:$0x2] =	wrdreg s2  }
0xb2: {  	[dreg:$0x3] =	wrdreg s18  }
0xb3: {  	[dreg:$0x4] =	wrdreg s4  }
0xb4: {  	[dreg:$0x5] =	wrdreg s24  }
0xb5: {  	[dreg:$0x6] =	wrdreg s5  }
0xb6: {  	[dreg:$0x7] =	wrdreg $0x9  }
0xb7: {  	_ =	task.clear_ibuf [dreg:s10], $0x8FFFF;
	_ =	strace $0x90000046  }
0xb8: {  	s29 =	simm.s32 $0x9;
	_ =	strace $0x80000048  }
0xb9: {  	_ =	swait.ge [sflag:s29], $0x1  }
0xba: {  	[sflag:s29] =	ssyncadd.s32 $0xFFFFFFFF  }
0xbb: {  	_ =	strace $0x90000048  }
0xbc: {  	_ =	sfence  }
0xbd: {  	s30 =	sld [smem:$0x0];
	_ =	sdelay $0x2  }
0xbe: {  	s31 =	sshll.u32 s1, $0xD;
	s1 =	sshrl.u32 s1, $0x2  }
0xbf: {  	s3 =	sand.u32 $0x4000, s31;
	s1 =	sadd.s32 s1, s30  }
0xc0: {  	s0 =	sor.u32 s3, s0;
	s1 =	sshll.u32 s1, $0x11  }
0xc1: {  	s0 =	sor.u32 s1, s0  }
0xc2: {  	s0 =	sadd.s32 $0x8F2B, s0  }
0xc3: {  	[sflag:s0] =	ssyncadd.remote.s32 $0x1  }
0xc4: {  	_ =	sfence.sel $0xFFFF  }
0xc5: {  	[dreg:$0x0] =	wrdreg $0xFFFFFFFF;
	(pc) =	sbr.abs _section_cstart, $3  }
0xc6: {  	[dreg:$0x1] =	wrdreg $0xFFFFFFFF  }
0xc7: {  	_ =	task.clear_ibuf [dreg:s10], $0x2FFFF;
	_ =	strace $0x9FFFFFFF  }
0xc8: {  	(tm) =	ssettm $0x7FFFFFFF  }
0xc9: {  	_ =	shalt  }
tec
execute0_lowered:
.L_overlay_start_1:
0x0: {  	(tag) =	ssettag $0x1  }
0x1: {  	s6 =	rddreg [dreg:$0x0]  }
0x2: {  	s7 =	rddreg [dreg:$0x1]  }
0x3: {  	s8 =	rddreg [dreg:$0x2]  }
0x4: {  	s9 =	rddreg [dreg:$0x3]  }
0x5: {  	s2 =	rddreg [dreg:$0x4]  }
0x6: {  	s3 =	srdreg.scid;
	s0 =	rddreg [dreg:$0x5]  }
0x7: {  	s1 =	stileid.u32;
	s13 =	simm.s32 $0x600;
	s14 =	simm.s32 $0xA00  }
0x8: {  	s15 =	simm.s32 $0xE00;
	s16 =	simm.s32 $0x1;
	s17 =	simm.s32 $0x1200  }
0x9: {  	s18 =	simm.s32 $0x2;
	s19 =	simm.s32 $0x0;
	s10 =	sand.u32 $0x1, s3  }
0xa: {  	s3 =	simm.s32 $0x0;
	s4 =	sshll.u32 s1, $0xA;
	s5 =	sshll.u32 s10, $0x9  }
0xb: {  	[smem:$0x7FF] =	sst s3;
	s10 =	ssub.s32 $0x2, s10;
	s11 =	sor.u32 s5, s4  }
0xc: {  	_ =	strace $0x80000047;
	s4 =	sadd.s32 $0xC00, s9;
	s5 =	sadd.s32 $0xA00, s9  }
0xd: {  	s31 =	sshrl.u32 s10, $0x1;
	s12 =	smul.u32 $0xC, s11;
	s11 =	sshrl.u32 s11, $0x3  }
0xe: {  	s10 =	ssub.s32 s10, s31;
	s6 =	sadd.s32 s6, s11;
	s7 =	sadd.s32 s7, s11  }
0xf: {  	s8 =	sadd.s32 s8, s11;
	s10 =	smax.u32 s10, $0x1;
	s9 =	sadd.s32 s12, s9  }
0x10: {  	s11 =	simm.s32 $0x200;
	s12 =	simm.s32 $0x400;
	s9 =	sadd.s32 $0xE00, s9  }
.LBB2_1:
0x11: {  	[tilespmem:s3], [sflag:$0x1] =	stream.linear.gather [hbm4b:s6+s3], $0x200, $0x38;
	[tilespmem:$0xD200] =	vst v63  }
0x12: {  	_ = 	snop  }
0x13: {  	[tilespmem:s11], [sflag:$0x1] =	stream.linear.gather [hbm4b:s7+s3], $0x200, $0x38;
	[tilespmem:$0xD200] =	vst v63  }
0x14: {  	_ = 	snop  }
0x15: {  	[tilespmem:s12], [sflag:$0x1] =	stream.linear.gather [hbm4b:s8+s3], $0x200, $0x38;
	[tilespmem:$0xD200] =	vst v63  }
0x16: {  	_ = 	snop  }
0x17: {  	[tilespmem:s13], [sflag:$0x1] =	stream.linear.gather [hbm4b:s4+s3], $0x40, $0x38;
	[tilespmem:$0xD200] =	vst v63  }
0x18: {  	_ = 	snop  }
0x19: {  	[tilespmem:s14], [sflag:$0x1] =	stream.linear.gather [hbm4b:s5+s3], $0xE0, $0x38;
	[tilespmem:$0xD200] =	vst v63  }
0x1a: {  	_ = 	snop  }
0x1b: {  	[tilespmem:s15], [sflag:$0x1] =	stream.linear.gather [hbm4b:s2+s3], $0x2A0, $0x38;
	[tilespmem:$0xD200] =	vst v63  }
0x1c: {  	_ =	swait.ge [sflag:s16], $0x200  }
0x1d: {  	[sflag:s16] =	ssyncset.done $0x0  }
0x1e: {  	[sflag:s16] =	ssyncadd.s32 $0xFFFFFE00  }
0x1f: {  	_ =	swait.ge [sflag:s16], $0x200  }
0x20: {  	[sflag:s16] =	ssyncset.done $0x0  }
0x21: {  	[sflag:s16] =	ssyncadd.s32 $0xFFFFFE00  }
0x22: {  	_ =	swait.ge [sflag:s16], $0x200  }
0x23: {  	[sflag:s16] =	ssyncset.done $0x0  }
0x24: {  	[sflag:s16] =	ssyncadd.s32 $0xFFFFFE00  }
0x25: {  	_ =	swait.ge [sflag:s16], $0x40  }
0x26: {  	[sflag:s16] =	ssyncset.done $0x0  }
0x27: {  	[sflag:s16] =	ssyncadd.s32 $0xFFFFFFC0  }
0x28: {  	_ =	swait.ge [sflag:s16], $0xE0  }
0x29: {  	[sflag:s16] =	ssyncset.done $0x0  }
0x2a: {  	[sflag:s16] =	ssyncadd.s32 $0xFFFFFF20  }
0x2b: {  	_ =	swait.ge [sflag:s16], $0x2A0  }
0x2c: {  	[sflag:s16] =	ssyncset.done $0x0  }
0x2d: {  	s20 =	simm.s32 $0x1500;
	s21 =	simm.s32 $0x0;
	[sflag:s16] =	ssyncadd.s32 $0xFFFFFD60  }
.LBB2_2:
0x2e: {  	s22 =	sshra.s32 s21, $0x2  }
0x2f: {  	v0 =	vld [tilespmem:s22+$0x0];
	_ =	sdelay $0x4  }
0x30: {  	v0 =	vshll.u32 v0, $0x7  }
0x31: {  	v0 =	vshra.s32 v0, $0x2  }
0x32: {  	(v2sf) =	vpush v0, $0x0;
	_ =	sdelay $0xb  }
0x33: {  	(v2sf) =	vpush v0, $0x1;
	_ =	sdelay $0x2  }
0x34: {  	s23 =	spop (v2sf)  }
0x35: {  	v1 =	vld [tilespmem:s23+$0x600];
	_ =	sdelay $0x4  }
0x36: {  	[tilespmem:s20+$0xFFFFFD00] =	vst v1  }
0x37: {  	v1 =	vld [tilespmem:s23+$0x610];
	_ =	sdelay $0x1  }
0x38: {  	(v2sf) =	vpush v0, $0x2;
	_ =	sdelay $0x2  }
0x39: {  	s29 =	spop (v2sf);
	[tilespmem:s20+$0xFFFFFD10] =	vst v1  }
0x3a: {  	v1 =	vld [tilespmem:s29+$0x600];
	_ =	sdelay $0x4  }
0x3b: {  	[tilespmem:s20+$0xFFFFFD60] =	vst v1  }
0x3c: {  	v1 =	vld [tilespmem:s29+$0x610];
	_ =	sdelay $0x1  }
0x3d: {  	(v2sf) =	vpush v0, $0x3;
	_ =	sdelay $0x2  }
0x3e: {  	s30 =	spop (v2sf);
	[tilespmem:s20+$0xFFFFFD70] =	vst v1  }
0x3f: {  	v1 =	vld [tilespmem:s30+$0x600];
	_ =	sdelay $0x4  }
0x40: {  	[tilespmem:s20+$0xFFFFFDC0] =	vst v1  }
0x41: {  	v1 =	vld [tilespmem:s30+$0x610];
	_ =	sdelay $0x1  }
0x42: {  	(v2sf) =	vpush v0, $0x4;
	_ =	sdelay $0x2  }
0x43: {  	s31 =	spop (v2sf);
	[tilespmem:s20+$0xFFFFFDD0] =	vst v1  }
0x44: {  	v1 =	vld [tilespmem:s31+$0x600];
	_ =	sdelay $0x4  }
0x45: {  	[tilespmem:s20+$0xFFFFFE20] =	vst v1  }
0x46: {  	v1 =	vld [tilespmem:s31+$0x610];
	_ =	sdelay $0x1  }
0x47: {  	(v2sf) =	vpush v0, $0x5;
	_ =	sdelay $0x2  }
0x48: {  	s24 =	spop (v2sf);
	[tilespmem:s20+$0xFFFFFE30] =	vst v1  }
0x49: {  	v1 =	vld [tilespmem:s24+$0x600];
	_ =	sdelay $0x4  }
0x4a: {  	[tilespmem:s20+$0xFFFFFE80] =	vst v1  }
0x4b: {  	v1 =	vld [tilespmem:s24+$0x610];
	_ =	sdelay $0x1  }
0x4c: {  	(v2sf) =	vpush v0, $0x6;
	_ =	sdelay $0x2  }
0x4d: {  	s25 =	spop (v2sf);
	[tilespmem:s20+$0xFFFFFE90] =	vst v1  }
0x4e: {  	v1 =	vld [tilespmem:s25+$0x600];
	_ =	sdelay $0x4  }
0x4f: {  	[tilespmem:s20+$0xFFFFFEE0] =	vst v1  }
0x50: {  	v1 =	vld [tilespmem:s25+$0x610];
	_ =	sdelay $0x1  }
0x51: {  	(v2sf) =	vpush v0, $0x7;
	_ =	sdelay $0x2  }
0x52: {  	s26 =	spop (v2sf);
	[tilespmem:s20+$0xFFFFFEF0] =	vst v1  }
0x53: {  	v1 =	vld [tilespmem:s26+$0x600];
	_ =	sdelay $0x4  }
0x54: {  	[tilespmem:s20+$0xFFFFFF40] =	vst v1  }
0x55: {  	v1 =	vld [tilespmem:s26+$0x610];
	_ =	sdelay $0x1  }
0x56: {  	(v2sf) =	vpush v0, $0x8;
	_ =	sdelay $0x2  }
0x57: {  	s28 =	spop (v2sf);
	[tilespmem:s20+$0xFFFFFF50] =	vst v1  }
0x58: {  	v1 =	vld [tilespmem:s28+$0x600];
	_ =	sdelay $0x4  }
0x59: {  	[tilespmem:s20+$0xFFFFFFA0] =	vst v1  }
0x5a: {  	v1 =	vld [tilespmem:s28+$0x610];
	_ =	sdelay $0x1  }
0x5b: {  	(v2sf) =	vpush v0, $0x9;
	_ =	sdelay $0x2  }
0x5c: {  	s29 =	spop (v2sf);
	[tilespmem:s20+$0xFFFFFFB0] =	vst v1  }
0x5d: {  	v1 =	vld [tilespmem:s29+$0x600];
	_ =	sdelay $0x4  }
0x5e: {  	[tilespmem:s20+$0x0] =	vst v1  }
0x5f: {  	v1 =	vld [tilespmem:s29+$0x610];
	_ =	sdelay $0x1  }
0x60: {  	(v2sf) =	vpush v0, $0xA;
	_ =	sdelay $0x2  }
0x61: {  	s30 =	spop (v2sf);
	[tilespmem:s20+$0x10] =	vst v1  }
0x62: {  	v1 =	vld [tilespmem:s30+$0x600];
	_ =	sdelay $0x4  }
0x63: {  	[tilespmem:s20+$0x60] =	vst v1  }
0x64: {  	v1 =	vld [tilespmem:s30+$0x610];
	_ =	sdelay $0x1  }
0x65: {  	(v2sf) =	vpush v0, $0xB;
	_ =	sdelay $0x2  }
0x66: {  	s31 =	spop (v2sf);
	[tilespmem:s20+$0x70] =	vst v1  }
0x67: {  	v1 =	vld [tilespmem:s31+$0x600];
	_ =	sdelay $0x4  }
0x68: {  	[tilespmem:s20+$0xC0] =	vst v1  }
0x69: {  	v1 =	vld [tilespmem:s31+$0x610];
	_ =	sdelay $0x1  }
0x6a: {  	(v2sf) =	vpush v0, $0xC;
	_ =	sdelay $0x2  }
0x6b: {  	s24 =	spop (v2sf);
	[tilespmem:s20+$0xD0] =	vst v1  }
0x6c: {  	v1 =	vld [tilespmem:s24+$0x600];
	_ =	sdelay $0x4  }
0x6d: {  	[tilespmem:s20+$0x120] =	vst v1  }
0x6e: {  	v1 =	vld [tilespmem:s24+$0x610];
	_ =	sdelay $0x1  }
0x6f: {  	(v2sf) =	vpush v0, $0xD;
	_ =	sdelay $0x2  }
0x70: {  	s25 =	spop (v2sf);
	[tilespmem:s20+$0x130] =	vst v1  }
0x71: {  	v1 =	vld [tilespmem:s25+$0x600];
	_ =	sdelay $0x4  }
0x72: {  	[tilespmem:s20+$0x180] =	vst v1  }
0x73: {  	v1 =	vld [tilespmem:s25+$0x610];
	_ =	sdelay $0x1  }
0x74: {  	(v2sf) =	vpush v0, $0xE;
	_ =	sdelay $0x2  }
0x75: {  	s26 =	spop (v2sf);
	[tilespmem:s20+$0x190] =	vst v1  }
0x76: {  	v1 =	vld [tilespmem:s26+$0x600];
	_ =	sdelay $0x4  }
0x77: {  	[tilespmem:s20+$0x1E0] =	vst v1  }
0x78: {  	v1 =	vld [tilespmem:s26+$0x610];
	_ =	sdelay $0x1  }
0x79: {  	(v2sf) =	vpush v0, $0xF;
	_ =	sdelay $0x2  }
0x7a: {  	s28 =	spop (v2sf);
	[tilespmem:s20+$0x1F0] =	vst v1  }
0x7b: {  	v61 =	vld [tilespmem:s28+$0x600];
	_ =	sdelay $0x4  }
0x7c: {  	[tilespmem:s20+$0x240] =	vst v61  }
0x7d: {  	v0 =	vld [tilespmem:s28+$0x610];
	_ =	sdelay $0x4  }
0x7e: {  	s29 =	spop (v2sf);
	[tilespmem:s20+$0x250] =	vst v0  }
0x7f: {  	v0 =	vld [tilespmem:s29+$0x600];
	_ =	sdelay $0x4  }
0x80: {  	[tilespmem:s20+$0x2A0] =	vst v0  }
0x81: {  	v0 =	vld [tilespmem:s29+$0x610];
	_ =	sdelay $0x4  }
0x82: {  	[tilespmem:s20+$0x2B0] =	vst v0  }
0x83: {  	v0 =	vld [tilespmem:s22+$0x200];
	_ =	sdelay $0x4  }
0x84: {  	v0 =	vshll.u32 v0, $0x7  }
0x85: {  	v0 =	vshra.s32 v0, $0x2  }
0x86: {  	(v2sf) =	vpush v0, $0x0;
	_ =	sdelay $0xb  }
0x87: {  	(v2sf) =	vpush v0, $0x1;
	_ =	sdelay $0x2  }
0x88: {  	s30 =	spop (v2sf)  }
0x89: {  	v1 =	vld [tilespmem:s30+$0xA00];
	_ =	sdelay $0x4  }
0x8a: {  	[tilespmem:s20+$0xFFFFFD20] =	vst v1  }
0x8b: {  	v1 =	vld [tilespmem:s30+$0xA10];
	_ =	sdelay $0x1  }
0x8c: {  	(v2sf) =	vpush v0, $0x2;
	_ =	sdelay $0x2  }
0x8d: {  	s31 =	spop (v2sf);
	[tilespmem:s20+$0xFFFFFD30] =	vst v1  }
0x8e: {  	v1 =	vld [tilespmem:s31+$0xA00];
	_ =	sdelay $0x4  }
0x8f: {  	[tilespmem:s20+$0xFFFFFD80] =	vst v1  }
0x90: {  	v1 =	vld [tilespmem:s31+$0xA10];
	_ =	sdelay $0x1  }
0x91: {  	(v2sf) =	vpush v0, $0x3;
	_ =	sdelay $0x2  }
0x92: {  	s24 =	spop (v2sf);
	[tilespmem:s20+$0xFFFFFD90] =	vst v1  }
0x93: {  	v1 =	vld [tilespmem:s24+$0xA00];
	_ =	sdelay $0x4  }
0x94: {  	[tilespmem:s20+$0xFFFFFDE0] =	vst v1  }
0x95: {  	v1 =	vld [tilespmem:s24+$0xA10];
	_ =	sdelay $0x1  }
0x96: {  	(v2sf) =	vpush v0, $0x4;
	_ =	sdelay $0x2  }
0x97: {  	s25 =	spop (v2sf);
	[tilespmem:s20+$0xFFFFFDF0] =	vst v1  }
0x98: {  	v1 =	vld [tilespmem:s25+$0xA00];
	_ =	sdelay $0x4  }
0x99: {  	[tilespmem:s20+$0xFFFFFE40] =	vst v1  }
0x9a: {  	v1 =	vld [tilespmem:s25+$0xA10];
	_ =	sdelay $0x1  }
0x9b: {  	(v2sf) =	vpush v0, $0x5;
	_ =	sdelay $0x2  }
0x9c: {  	s26 =	spop (v2sf);
	[tilespmem:s20+$0xFFFFFE50] =	vst v1  }
0x9d: {  	v1 =	vld [tilespmem:s26+$0xA00];
	_ =	sdelay $0x4  }
0x9e: {  	[tilespmem:s20+$0xFFFFFEA0] =	vst v1  }
0x9f: {  	v1 =	vld [tilespmem:s26+$0xA10];
	_ =	sdelay $0x1  }
0xa0: {  	(v2sf) =	vpush v0, $0x6;
	_ =	sdelay $0x2  }
0xa1: {  	s28 =	spop (v2sf);
	[tilespmem:s20+$0xFFFFFEB0] =	vst v1  }
0xa2: {  	v1 =	vld [tilespmem:s28+$0xA00];
	_ =	sdelay $0x4  }
0xa3: {  	[tilespmem:s20+$0xFFFFFF00] =	vst v1  }
0xa4: {  	v1 =	vld [tilespmem:s28+$0xA10];
	_ =	sdelay $0x1  }
0xa5: {  	(v2sf) =	vpush v0, $0x7;
	_ =	sdelay $0x2  }
0xa6: {  	s29 =	spop (v2sf);
	[tilespmem:s20+$0xFFFFFF10] =	vst v1  }
0xa7: {  	v1 =	vld [tilespmem:s29+$0xA00];
	_ =	sdelay $0x4  }
0xa8: {  	[tilespmem:s20+$0xFFFFFF60] =	vst v1  }
0xa9: {  	v1 =	vld [tilespmem:s29+$0xA10];
	_ =	sdelay $0x1  }
0xaa: {  	(v2sf) =	vpush v0, $0x8;
	_ =	sdelay $0x2  }
0xab: {  	s30 =	spop (v2sf);
	[tilespmem:s20+$0xFFFFFF70] =	vst v1  }
0xac: {  	v1 =	vld [tilespmem:s30+$0xA00];
	_ =	sdelay $0x4  }
0xad: {  	[tilespmem:s20+$0xFFFFFFC0] =	vst v1  }
0xae: {  	v1 =	vld [tilespmem:s30+$0xA10];
	_ =	sdelay $0x1  }
0xaf: {  	(v2sf) =	vpush v0, $0x9;
	_ =	sdelay $0x2  }
0xb0: {  	s31 =	spop (v2sf);
	[tilespmem:s20+$0xFFFFFFD0] =	vst v1  }
0xb1: {  	v1 =	vld [tilespmem:s31+$0xA00];
	_ =	sdelay $0x4  }
0xb2: {  	[tilespmem:s20+$0x20] =	vst v1  }
0xb3: {  	v1 =	vld [tilespmem:s31+$0xA10];
	_ =	sdelay $0x1  }
0xb4: {  	(v2sf) =	vpush v0, $0xA;
	_ =	sdelay $0x2  }
0xb5: {  	s24 =	spop (v2sf);
	[tilespmem:s20+$0x30] =	vst v1  }
0xb6: {  	v1 =	vld [tilespmem:s24+$0xA00];
	_ =	sdelay $0x4  }
0xb7: {  	[tilespmem:s20+$0x80] =	vst v1  }
0xb8: {  	v1 =	vld [tilespmem:s24+$0xA10];
	_ =	sdelay $0x1  }
0xb9: {  	(v2sf) =	vpush v0, $0xB;
	_ =	sdelay $0x2  }
0xba: {  	s25 =	spop (v2sf);
	[tilespmem:s20+$0x90] =	vst v1  }
0xbb: {  	v1 =	vld [tilespmem:s25+$0xA00];
	_ =	sdelay $0x4  }
0xbc: {  	[tilespmem:s20+$0xE0] =	vst v1  }
0xbd: {  	v1 =	vld [tilespmem:s25+$0xA10];
	_ =	sdelay $0x1  }
0xbe: {  	(v2sf) =	vpush v0, $0xC;
	_ =	sdelay $0x2  }
0xbf: {  	s26 =	spop (v2sf);
	[tilespmem:s20+$0xF0] =	vst v1  }
0xc0: {  	v1 =	vld [tilespmem:s26+$0xA00];
	_ =	sdelay $0x4  }
0xc1: {  	[tilespmem:s20+$0x140] =	vst v1  }
0xc2: {  	v1 =	vld [tilespmem:s26+$0xA10];
	_ =	sdelay $0x1  }
0xc3: {  	(v2sf) =	vpush v0, $0xD;
	_ =	sdelay $0x2  }
0xc4: {  	s28 =	spop (v2sf);
	[tilespmem:s20+$0x150] =	vst v1  }
0xc5: {  	v1 =	vld [tilespmem:s28+$0xA00];
	_ =	sdelay $0x4  }
0xc6: {  	[tilespmem:s20+$0x1A0] =	vst v1  }
0xc7: {  	v1 =	vld [tilespmem:s28+$0xA10];
	_ =	sdelay $0x1  }
0xc8: {  	(v2sf) =	vpush v0, $0xE;
	_ =	sdelay $0x2  }
0xc9: {  	s29 =	spop (v2sf);
	[tilespmem:s20+$0x1B0] =	vst v1  }
0xca: {  	v1 =	vld [tilespmem:s29+$0xA00];
	_ =	sdelay $0x4  }
0xcb: {  	[tilespmem:s20+$0x200] =	vst v1  }
0xcc: {  	v1 =	vld [tilespmem:s29+$0xA10];
	_ =	sdelay $0x1  }
0xcd: {  	(v2sf) =	vpush v0, $0xF;
	_ =	sdelay $0x2  }
0xce: {  	s30 =	spop (v2sf);
	[tilespmem:s20+$0x210] =	vst v1  }
0xcf: {  	v62 =	vld [tilespmem:s30+$0xA00];
	_ =	sdelay $0x4  }
0xd0: {  	[tilespmem:s20+$0x260] =	vst v62  }
0xd1: {  	v0 =	vld [tilespmem:s30+$0xA10];
	_ =	sdelay $0x4  }
0xd2: {  	s31 =	spop (v2sf);
	[tilespmem:s20+$0x270] =	vst v0  }
0xd3: {  	v0 =	vld [tilespmem:s31+$0xA00];
	_ =	sdelay $0x4  }
0xd4: {  	[tilespmem:s20+$0x2C0] =	vst v0  }
0xd5: {  	v0 =	vld [tilespmem:s31+$0xA10];
	_ =	sdelay $0x4  }
0xd6: {  	[tilespmem:s20+$0x2D0] =	vst v0  }
0xd7: {  	v0 =	vld [tilespmem:s22+$0x400];
	_ =	sdelay $0x4  }
0xd8: {  	v0 =	vshll.u32 v0, $0x7  }
0xd9: {  	v0 =	vshra.s32 v0, $0x2  }
0xda: {  	(v2sf) =	vpush v0, $0x0;
	_ =	sdelay $0xb  }
0xdb: {  	(v2sf) =	vpush v0, $0x1;
	_ =	sdelay $0x2  }
0xdc: {  	s23 =	spop (v2sf)  }
0xdd: {  	v1 =	vld [tilespmem:s23+$0xE00];
	_ =	sdelay $0x4  }
0xde: {  	[tilespmem:s20+$0xFFFFFD40] =	vst v1  }
0xdf: {  	v1 =	vld [tilespmem:s23+$0xE10];
	_ =	sdelay $0x1  }
0xe0: {  	(v2sf) =	vpush v0, $0x2;
	_ =	sdelay $0x2  }
0xe1: {  	s24 =	spop (v2sf);
	[tilespmem:s20+$0xFFFFFD50] =	vst v1  }
0xe2: {  	v1 =	vld [tilespmem:s24+$0xE00];
	_ =	sdelay $0x4  }
0xe3: {  	[tilespmem:s20+$0xFFFFFDA0] =	vst v1  }
0xe4: {  	v1 =	vld [tilespmem:s24+$0xE10];
	_ =	sdelay $0x1  }
0xe5: {  	(v2sf) =	vpush v0, $0x3;
	_ =	sdelay $0x2  }
0xe6: {  	s25 =	spop (v2sf);
	[tilespmem:s20+$0xFFFFFDB0] =	vst v1  }
0xe7: {  	v1 =	vld [tilespmem:s25+$0xE00];
	_ =	sdelay $0x4  }
0xe8: {  	[tilespmem:s20+$0xFFFFFE00] =	vst v1  }
0xe9: {  	v1 =	vld [tilespmem:s25+$0xE10];
	_ =	sdelay $0x1  }
0xea: {  	(v2sf) =	vpush v0, $0x4;
	_ =	sdelay $0x2  }
0xeb: {  	s26 =	spop (v2sf);
	[tilespmem:s20+$0xFFFFFE10] =	vst v1  }
0xec: {  	v1 =	vld [tilespmem:s26+$0xE00];
	_ =	sdelay $0x4  }
0xed: {  	[tilespmem:s20+$0xFFFFFE60] =	vst v1  }
0xee: {  	v1 =	vld [tilespmem:s26+$0xE10];
	_ =	sdelay $0x1  }
0xef: {  	(v2sf) =	vpush v0, $0x5;
	_ =	sdelay $0x2  }
0xf0: {  	s28 =	spop (v2sf);
	[tilespmem:s20+$0xFFFFFE70] =	vst v1  }
0xf1: {  	v1 =	vld [tilespmem:s28+$0xE00];
	_ =	sdelay $0x4  }
0xf2: {  	[tilespmem:s20+$0xFFFFFEC0] =	vst v1  }
0xf3: {  	v1 =	vld [tilespmem:s28+$0xE10];
	_ =	sdelay $0x1  }
0xf4: {  	(v2sf) =	vpush v0, $0x6;
	_ =	sdelay $0x2  }
0xf5: {  	s29 =	spop (v2sf);
	[tilespmem:s20+$0xFFFFFED0] =	vst v1  }
0xf6: {  	v1 =	vld [tilespmem:s29+$0xE00];
	_ =	sdelay $0x4  }
0xf7: {  	[tilespmem:s20+$0xFFFFFF20] =	vst v1  }
0xf8: {  	v1 =	vld [tilespmem:s29+$0xE10];
	_ =	sdelay $0x1  }
0xf9: {  	(v2sf) =	vpush v0, $0x7;
	_ =	sdelay $0x2  }
0xfa: {  	s30 =	spop (v2sf);
	[tilespmem:s20+$0xFFFFFF30] =	vst v1  }
0xfb: {  	v1 =	vld [tilespmem:s30+$0xE00];
	_ =	sdelay $0x4  }
0xfc: {  	[tilespmem:s20+$0xFFFFFF80] =	vst v1  }
0xfd: {  	v1 =	vld [tilespmem:s30+$0xE10];
	_ =	sdelay $0x1  }
0xfe: {  	(v2sf) =	vpush v0, $0x8;
	_ =	sdelay $0x2  }
0xff: {  	s31 =	spop (v2sf);
	[tilespmem:s20+$0xFFFFFF90] =	vst v1  }
0x100: {  	v1 =	vld [tilespmem:s31+$0xE00];
	_ =	sdelay $0x4  }
0x101: {  	[tilespmem:s20+$0xFFFFFFE0] =	vst v1  }
0x102: {  	v1 =	vld [tilespmem:s31+$0xE10];
	_ =	sdelay $0x1  }
0x103: {  	(v2sf) =	vpush v0, $0x9;
	_ =	sdelay $0x2  }
0x104: {  	s23 =	spop (v2sf);
	[tilespmem:s20+$0xFFFFFFF0] =	vst v1  }
0x105: {  	v1 =	vld [tilespmem:s23+$0xE00];
	_ =	sdelay $0x4  }
0x106: {  	[tilespmem:s20+$0x40] =	vst v1  }
0x107: {  	v1 =	vld [tilespmem:s23+$0xE10];
	_ =	sdelay $0x1  }
0x108: {  	(v2sf) =	vpush v0, $0xA;
	_ =	sdelay $0x2  }
0x109: {  	s24 =	spop (v2sf);
	[tilespmem:s20+$0x50] =	vst v1  }
0x10a: {  	v1 =	vld [tilespmem:s24+$0xE00];
	_ =	sdelay $0x4  }
0x10b: {  	[tilespmem:s20+$0xA0] =	vst v1  }
0x10c: {  	v1 =	vld [tilespmem:s24+$0xE10];
	_ =	sdelay $0x1  }
0x10d: {  	(v2sf) =	vpush v0, $0xB;
	_ =	sdelay $0x2  }
0x10e: {  	s25 =	spop (v2sf);
	[tilespmem:s20+$0xB0] =	vst v1  }
0x10f: {  	v1 =	vld [tilespmem:s25+$0xE00];
	_ =	sdelay $0x4  }
0x110: {  	[tilespmem:s20+$0x100] =	vst v1  }
0x111: {  	v1 =	vld [tilespmem:s25+$0xE10];
	_ =	sdelay $0x1  }
0x112: {  	(v2sf) =	vpush v0, $0xC;
	_ =	sdelay $0x2  }
0x113: {  	s26 =	spop (v2sf);
	[tilespmem:s20+$0x110] =	vst v1  }
0x114: {  	v1 =	vld [tilespmem:s26+$0xE00];
	_ =	sdelay $0x4  }
0x115: {  	[tilespmem:s20+$0x160] =	vst v1  }
0x116: {  	v1 =	vld [tilespmem:s26+$0xE10];
	_ =	sdelay $0x1  }
0x117: {  	(v2sf) =	vpush v0, $0xD;
	_ =	sdelay $0x2  }
0x118: {  	s28 =	spop (v2sf);
	[tilespmem:s20+$0x170] =	vst v1  }
0x119: {  	v1 =	vld [tilespmem:s28+$0xE00];
	_ =	sdelay $0x4  }
0x11a: {  	[tilespmem:s20+$0x1C0] =	vst v1  }
0x11b: {  	v1 =	vld [tilespmem:s28+$0xE10];
	_ =	sdelay $0x1  }
0x11c: {  	(v2sf) =	vpush v0, $0xE;
	_ =	sdelay $0x2  }
0x11d: {  	s29 =	spop (v2sf);
	[tilespmem:s20+$0x1D0] =	vst v1  }
0x11e: {  	v1 =	vld [tilespmem:s29+$0xE00];
	_ =	sdelay $0x4  }
0x11f: {  	[tilespmem:s20+$0x220] =	vst v1  }
0x120: {  	v1 =	vld [tilespmem:s29+$0xE10];
	_ =	sdelay $0x1  }
0x121: {  	(v2sf) =	vpush v0, $0xF;
	_ =	sdelay $0x2  }
0x122: {  	s30 =	spop (v2sf);
	[tilespmem:s20+$0x230] =	vst v1  }
0x123: {  	v63 =	vld [tilespmem:s30+$0xE00];
	_ =	sdelay $0x4  }
0x124: {  	[tilespmem:s20+$0x280] =	vst v63  }
0x125: {  	v0 =	vld [tilespmem:s30+$0xE10];
	_ =	sdelay $0x4  }
0x126: {  	s31 =	spop (v2sf);
	[tilespmem:s20+$0x290] =	vst v0  }
0x127: {  	v0 =	vld [tilespmem:s31+$0xE00];
	_ =	sdelay $0x4  }
0x128: {  	[tilespmem:s20+$0x2E0] =	vst v0  }
0x129: {  	p0 =	sne.s32 s21, $0x7C0;
	v0 =	vld [tilespmem:s31+$0xE10]  }
.Ltmp0:
0x12a: {  	_ = 	snop;
	(pc) =	sbr.rel @p0 .LBB2_2-.Ltmp0, $2  }
0x12b: {  	_ =	sdelay $0x2  }
0x12c: {  	s21 =	sadd.s32 $0x40, s21;
	[tilespmem:s20+$0x2F0] =	vst v0;
	s20 =	sadd.s32 $0x600, s20  }
0x12d: {  	s19 =	sadd.s32 $0x1, s19  }
0x12e: {  	p0 =	sne.s32 s19, s10  }
.Ltmp1:
0x12f: {  	_ = 	snop;
	(pc) =	sbr.rel @p0 .LBB2_1-.Ltmp1, $4  }
0x130: {  	[hbm4b:s9+s3] =	stream.linear.scatter [tilespmem:s17], [sflag:$0x2], $0xC000, $0x38;
	[tilespmem:$0xD200] =	vst v63  }
0x131: {  	_ =	swait.ge [sflag:s18], $0xC000  }
0x132: {  	[sflag:s18] =	ssyncset.done $0x0  }
0x133: {  	[sflag:s18] =	ssyncadd.s32 $0xFFFF4000  }
0x134: {  	_ =	sfence.sel $0x180000  }
0x135: {  	[bflag:$0x0] =	sbarrier.arrive $0xFFFF  }
0x136: {  	p0 =	sne.s32 s1, $0x0;
	_ =	strace $0x90000047  }
0x137: {  	s0 =	sadd.s32 @!p0 $0x100000, s0;
	[bflag:$0x2] =	sbarrier.arrive $0xFFFF  }
0x138: {  	[sflag:s0] =	ssyncadd.tile.s32 @!p0 $0x1;
	_ =	shalt  }
.Lfunc_end2:
_tile_overlayer_lowered:
.L_overlay_start_2:
0x139: {  	(tag) =	ssettag $0x2  }
0x13a: {  	s0 =	rddreg [dreg:$0x0];
	s2 =	stileid.u32  }
0x13b: {  	s1 =	rddreg [dreg:$0x1];
	p0 =	sne.s32 s2, $0x0  }
0x13c: {  	s3 =	rddreg [dreg:$0x2];
	[bflag:$0x3] =	sbarrier.arrive $0xFFFF;
	s2 =	simm.s32 @!p0 $0x1C02  }
0x13d: {  	[timem:s3], [sflag:s2] =	dma.local @!p0 [hbm:s0], s1  }
0x13e: {  	s0 =	simm.s32 @!p0 $0x2  }
0x13f: {  	_ =	swait.ge @!p0 [sflag:s0], s1  }
0x140: {  	s1 =	ssub.s32 @!p0 $0x0, s1;
	[sflag:s0] =	ssyncset.done @!p0 $0x0  }
0x141: {  	[sflag:s0] =	ssyncadd.s32 @!p0 s1  }
0x142: {  	[bflag:$0x3] =	sbarrier.arrive $0xFFFF  }
0x143: {  	_ =	shalt  }

// kernel: kernel.7.cloned.1.call-start
scs
__scs_entry_jumppad:
0x0: {  	(pc) =	sbr.rel $0x88, $3  }
0x1: {  	(tag) =	ssettag $0x0;
	lr =	simm.s32 $0x1  }
0x2: {  	[smem:$0x3F99] =	sst lr;
	_ =	strace $0xD0000000  }
0x3: {  	_ = 	snop  }
0x4: {  	_ = 	snop  }
0x5: {  	_ = 	snop  }
0x6: {  	_ = 	snop  }
0x7: {  	_ = 	snop  }
__scs_overlays_trampoline_lowered:
0x8: {  	[smem:$0x3FA8] =	sst s0  }
0x9: {  	[smem:$0x3FA9] =	sst s1  }
0xa: {  	[smem:$0x3FAA] =	sst s2  }
0xb: {  	[smem:$0x3FAB] =	sst s3  }
0xc: {  	[smem:$0x3FAC] =	sst s4  }
0xd: {  	[smem:$0x3FAD] =	sst s5  }
0xe: {  	[smem:$0x3FAE] =	sst s6  }
0xf: {  	[smem:$0x3FAF] =	sst s7  }
0x10: {  	[smem:$0x3FB0] =	sst s8  }
0x11: {  	[smem:$0x3FB1] =	sst s9;
	s0 =	simm.s32 @!p0 $0x0  }
0x12: {  	s1 =	sld [smem:$0x3F97];
	s0 =	simm.s32 @p0 $0x1  }
0x13: {  	[smem:$0x3FB2] =	sst s0;
	s0 =	simm.s32 @!p1 $0x0  }
0x14: {  	s2 =	sld [smem:$0x3F96];
	s0 =	simm.s32 @p1 $0x1  }
0x15: {  	[smem:$0x3FB3] =	sst s0;
	s0 =	simm.s32 @!p2 $0x0  }
0x16: {  	s3 =	sld [smem:$0x3FDB];
	s0 =	simm.s32 @p2 $0x1  }
0x17: {  	s4 =	simm.s32 $0x1BF5;
	[smem:$0x3FB5] =	sst s0  }
0x18: {  	s0 =	sld [smem:$0x3F98];
	_ =	swait.ge [sflag:s4], $0x0  }
0x19: {  	s7 =	sld [smem:$0x3F99]  }
0x1a: {  	s8 =	sadd.s32 $0xFFFFE003, lr  }
0x1b: {  	s9 =	sadd.s32 $0xFFFFFEF7, lr;
	s5 =	simm.s32 $0xFFFFFFFF;
	p2 =	slt.u32 s8, $0xFFFFF086  }
0x1c: {  	p1 =	slt.u32 s9, $0xF7A;
	s5 =	simm.s32 @!p2 $0x0  }
0x1d: {  	s5 =	simm.s32 @p1 $0x1;
	p0 =	seq.s32 s7, s2  }
0x1e: {  	s7 =	smul.u32 @!p0 $0xF7A, s2;
	p2 =	seq.s32 @!p0 s5, $0x0  }
0x1f: {  	s9 =	smul.u32 $0xF7A, s1;
	s8 =	simm.s32 @!p0 $0x1BF5;
	p2 =	por !p2, p0  }
0x20: {  	[sflag:s8] =	ssyncset.s32 @!p0 $0xFFFFF086;
	s6 =	sadd.s32 @!p0 s3, s7;
	s7 =	simm.s32 @!p0 $0x108  }
0x21: {  	s3 =	sadd.s32 s3, s9;
	s6 =	sadd.s32 @!p0 $0x88, s6;
	s7 =	simm.s32 @p2 $0x1082  }
0x22: {  	[simem:s7], [sflag:s8] =	dma.local @!p0 [hbm:s6], $0xF7A  }
0x23: {  	s9 =	sor.u32 $0xD0000000, s2;
	s6 =	simm.s32 $0x108;
	_ =	swait.ge @!p0 [sflag:s8], $0x0  }
0x24: {  	s3 =	sadd.s32 $0x88, s3;
	s6 =	simm.s32 @!p1 $0x1082;
	[sflag:s4] =	ssyncset.s32 $0xFFFFF086  }
0x25: {  	[simem:s6], [sflag:s4] =	dma.local [hbm:s3], $0xF7A  }
0x26: {  	[smem:$0x3F99] =	sst s1;
	(tag) =	ssettag s2;
	_ =	strace s9  }
0x27: {  	s1 =	sld [smem:$0x3FA9]  }
0x28: {  	s2 =	sld [smem:$0x3FAA]  }
0x29: {  	s4 =	sld [smem:$0x3FAC]  }
0x2a: {  	p0 =	seq.s32 s5, $0x0;
	s5 =	sld [smem:$0x3FAD]  }
0x2b: {  	s6 =	sld [smem:$0x3FAE]  }
0x2c: {  	s7 =	sld [smem:$0x3FAF]  }
0x2d: {  	s3 =	simm.s32 $0x108;
	s8 =	sld [smem:$0x3FB0]  }
0x2e: {  	s3 =	simm.s32 @!p0 $0x1082;
	s9 =	sld [smem:$0x3FB1]  }
0x2f: {  	lr =	sadd.s32 s0, s3;
	s0 =	sld [smem:$0x3FA8]  }
0x30: {  	s3 =	sld [smem:$0x3FAB]  }
0x31: {  	[smem:$0x3FB4] =	sst s10  }
0x32: {  	s10 =	sld [smem:$0x3FB2];
	_ =	sdelay $0x3  }
0x33: {  	p0 =	seq.s32 s10, $0x1;
	s10 =	sld [smem:$0x3FB4];
	_ =	sdelay $0x3  }
0x34: {  	[smem:$0x3FB4] =	sst s10  }
0x35: {  	s10 =	sld [smem:$0x3FB3];
	_ =	sdelay $0x3  }
0x36: {  	p1 =	seq.s32 s10, $0x1;
	s10 =	sld [smem:$0x3FB4];
	_ =	sdelay $0x3  }
0x37: {  	[smem:$0x3FB4] =	sst s10  }
0x38: {  	s10 =	sld [smem:$0x3FB5]  }
0x39: {  	_ = 	snop;
	(pc) =	sbr.ind lr, $3  }
0x3a: {  	_ = 	snop  }
0x3b: {  	_ = 	snop  }
0x3c: {  	p2 =	seq.s32 s10, $0x1;
	s10 =	sld [smem:$0x3FB4]  }
0x3d: {  	_ =	shalt  }
0x3e: {  	_ =	shalt  }
0x3f: {  	_ =	shalt  }
0x40: {  	_ =	shalt  }
0x41: {  	_ =	shalt  }
0x42: {  	_ =	shalt  }
0x43: {  	_ =	shalt  }
0x44: {  	_ =	shalt  }
0x45: {  	_ =	shalt  }
0x46: {  	_ =	shalt  }
0x47: {  	_ =	shalt  }
0x48: {  	_ =	shalt  }
0x49: {  	_ =	shalt  }
0x4a: {  	_ =	shalt  }
0x4b: {  	_ =	shalt  }
0x4c: {  	_ =	shalt  }
0x4d: {  	_ =	shalt  }
0x4e: {  	_ =	shalt  }
0x4f: {  	_ =	shalt  }
0x50: {  	_ =	shalt  }
0x51: {  	_ =	shalt  }
0x52: {  	_ =	shalt  }
0x53: {  	_ =	shalt  }
0x54: {  	_ =	shalt  }
0x55: {  	_ =	shalt  }
0x56: {  	_ =	shalt  }
0x57: {  	_ =	shalt  }
0x58: {  	_ =	shalt  }
0x59: {  	_ =	shalt  }
0x5a: {  	_ =	shalt  }
0x5b: {  	_ =	shalt  }
0x5c: {  	_ =	shalt  }
0x5d: {  	_ =	shalt  }
0x5e: {  	_ =	shalt  }
0x5f: {  	_ =	shalt  }
0x60: {  	_ =	shalt  }
0x61: {  	_ =	shalt  }
0x62: {  	_ =	shalt  }
0x63: {  	_ =	shalt  }
0x64: {  	_ =	shalt  }
0x65: {  	_ =	shalt  }
0x66: {  	_ =	shalt  }
0x67: {  	_ =	shalt  }
0x68: {  	_ =	shalt  }
0x69: {  	_ =	shalt  }
0x6a: {  	_ =	shalt  }
0x6b: {  	_ =	shalt  }
0x6c: {  	_ =	shalt  }
0x6d: {  	_ =	shalt  }
0x6e: {  	_ =	shalt  }
0x6f: {  	_ =	shalt  }
0x70: {  	_ =	shalt  }
0x71: {  	_ =	shalt  }
0x72: {  	_ =	shalt  }
0x73: {  	_ =	shalt  }
0x74: {  	_ =	shalt  }
0x75: {  	_ =	shalt  }
0x76: {  	_ =	shalt  }
0x77: {  	_ =	shalt  }
0x78: {  	_ =	shalt  }
0x79: {  	_ =	shalt  }
0x7a: {  	_ =	shalt  }
0x7b: {  	_ =	shalt  }
0x7c: {  	_ =	shalt  }
0x7d: {  	_ =	shalt  }
0x7e: {  	_ =	shalt  }
0x7f: {  	_ =	shalt  }
0x80: {  	_ =	shalt  }
0x81: {  	_ =	shalt  }
0x82: {  	_ =	shalt  }
0x83: {  	_ =	shalt  }
0x84: {  	_ =	shalt  }
0x85: {  	_ =	shalt  }
0x86: {  	_ =	shalt  }
0x87: {  	_ =	shalt  }
.Lfunc_end0:
.L_simem_size_0:
called_computation.1_lowered:
.L_overlay_start_0:
0x88: {  	s2 =	sld [smem:$0x3FD9]  }
0x89: {  	s3 =	sld [smem:$0x3FFE];
	_ =	sdelay $0x1  }
0x8a: {  	s1 =	srdreg.scid  }
0x8b: {  	s0 =	sand.u32 $0x1, s1  }
0x8c: {  	s17 =	sshll.u32 s0, $0xA;
	s2 =	sadd.s32 s3, s2  }
0x8d: {  	s2 =	sadd.s32 s2, s17  }
0x8e: {  	[smem:$0x3FC0] =	sst s2  }
0x8f: {  	_ = 	snop  }
0x90: {  	s2 =	sld [smem:$0x3FC6]  }
0x91: {  	s18 =	sld [smem:$0x3FD0];
	(tm) =	ssettm $0x1  }
0x92: {  	s4 =	sld [smem:$0x3FFB];
	_ =	sdelay $0x3  }
0x93: {  	_ =	strace s4  }
0x94: {  	s4 =	sld [smem:$0x3FFC];
	_ =	sdelay $0x3  }
0x95: {  	_ =	strace s4  }
0x96: {  	s4 =	sld [smem:$0x3FFD];
	_ =	sdelay $0x3  }
0x97: {  	_ =	strace s4  }
0x98: {  	_ =	strace $0x8FFFFFFF  }
0x99: {  	s19 =	sld [smem:$0x3FDB];
	_ =	sdelay $0x1  }
0x9a: {  	s5 =	simm.s32 $_scs_section_size  }
0x9b: {  	s6 =	simm.s32 $_size__tile_overlayer_lowered;
	s7 =	simm.s32 $_tile_overlayer_lowered  }
0x9c: {  	s22 =	simm.s32 $0x1BFF;
	s21 =	sshll.u32 s7, $0x1;
	s4 =	sadd.s32 s5, s19  }
0x9d: {  	s8 =	simm.s32 $0x0;
	s20 =	sshll.u32 s6, $0x1;
	s6 =	sadd.s32 s21, s4  }
0x9e: {  	[timem:s8], [sflag:s22] =	dma.local [hbm:s6], s20  }
0x9f: {  	_ =	swait.ge [sflag:s22], s20  }
0xa0: {  	s5 =	ssub.s32 $0x0, s20;
	[sflag:s22] =	ssyncset.done $0x0  }
0xa1: {  	[sflag:s22] =	ssyncadd.s32 s5;
	_ =	sdelay $0x1  }
0xa2: {  	s23 =	simm.s32 $0x1B8B  }
0xa3: {  	_ =	swait.ge [sflag:s23], $0x1  }
0xa4: {  	[sflag:s23] =	ssyncset.done $0x0  }
0xa5: {  	s25 =	simm.s32 $0x1B8E;
	s24 =	sld [smem:$0x3FFE];
	[sflag:s23] =	ssyncadd.s32 $0xFFFFFFFF  }
0xa6: {  	s26 =	simm.s32 $execute0_lowered;
	[smem:$0x3FD2] =	sst s25  }
0xa7: {  	s6 =	sshll.u32 s26, $0x1;
	_ =	strace $0x80000049;
	[dreg:$0x1] =	wrdreg $0xFFFFFFFF  }
0xa8: {  	s28 =	simm.s32 $_size_execute0_lowered;
	s4 =	sadd.s32 s4, s6;
	[dreg:$0x0] =	wrdreg $0x0  }
0xa9: {  	s6 =	sshll.u32 s28, $0x1;
	[dreg:$0x2] =	wrdreg s4  }
0xaa: {  	[dreg:$0x3] =	wrdreg s6  }
0xab: {  	[dreg:$0x4] =	wrdreg $0xC0  }
0xac: {  	_ =	task [dreg:s8], $0x5FFFF  }
0xad: {  	[dreg:$0x1] =	wrdreg $0xFFFFFFFF  }
0xae: {  	[dreg:$0x0] =	wrdreg $0x60  }
0xaf: {  	[dreg:$0x2] =	wrdreg s2  }
0xb0: {  	[dreg:$0x3] =	wrdreg s24  }
0xb1: {  	[dreg:$0x4] =	wrdreg s18  }
0xb2: {  	[dreg:$0x5] =	wrdreg $0x9  }
0xb3: {  	_ =	task.clear_ibuf [dreg:s8], $0x6FFFF;
	_ =	strace $0x90000049  }
0xb4: {  	s29 =	simm.s32 $0x9;
	_ =	strace $0x8000004B  }
0xb5: {  	_ =	swait.ge [sflag:s29], $0x1  }
0xb6: {  	[sflag:s29] =	ssyncadd.s32 $0xFFFFFFFF  }
0xb7: {  	_ =	strace $0x9000004B  }
0xb8: {  	_ =	sfence  }
0xb9: {  	s30 =	sld [smem:$0x0];
	_ =	sdelay $0x2  }
0xba: {  	s31 =	sshll.u32 s1, $0xD;
	s1 =	sshrl.u32 s1, $0x2  }
0xbb: {  	s3 =	sand.u32 $0x4000, s31;
	s1 =	sadd.s32 s1, s30  }
0xbc: {  	s0 =	sor.u32 s3, s0;
	s1 =	sshll.u32 s1, $0x11  }
0xbd: {  	s0 =	sor.u32 s1, s0  }
0xbe: {  	s0 =	sadd.s32 $0x8F2B, s0  }
0xbf: {  	[sflag:s0] =	ssyncadd.remote.s32 $0x1  }
0xc0: {  	_ =	sfence.sel $0xFFFF  }
0xc1: {  	[dreg:$0x0] =	wrdreg $0xFFFFFFFF;
	(pc) =	sbr.abs _section_cstart, $3  }
0xc2: {  	[dreg:$0x1] =	wrdreg $0xFFFFFFFF  }
0xc3: {  	_ =	task.clear_ibuf [dreg:s8], $0x2FFFF;
	_ =	strace $0x9FFFFFFF  }
0xc4: {  	(tm) =	ssettm $0x7FFFFFFF  }
0xc5: {  	_ =	shalt  }
tec
execute0_lowered:
.L_overlay_start_1:
0x0: {  	(tag) =	ssettag $0x1  }
0x1: {  	s1 =	srdreg.scid  }
0x2: {  	s0 =	stileid.u32;
	s19 =	sand.u32 $0x1, s1  }
0x3: {  	s5 =	rddreg [dreg:$0x0];
	s31 =	sshll.u32 s0, $0xA;
	s2 =	sshll.u32 s19, $0x9  }
0x4: {  	s7 =	rddreg [dreg:$0x1];
	s17 =	sor.u32 s2, s31  }
0x5: {  	s16 =	rddreg [dreg:$0x2];
	s3 =	smul.u32 $0xC, s17  }
0x6: {  	s1 =	rddreg [dreg:$0x3];
	s2 =	simm.s32 $0x0  }
0x7: {  	s4 =	simm.s32 $0x4200;
	[smem:$0x7FF] =	sst s2;
	s3 =	sadd.s32 s3, s7  }
0x8: {  	s6 =	sshrl.u32 s17, $0x3;
	_ =	strace $0x8000004A;
	s3 =	sadd.s32 $0xE00, s3  }
0x9: {  	[tilespmem:s4], [sflag:$0x2] =	stream.linear.gather [hbm4b:s3+s2], $0xC000, $0x38;
	[tilespmem:$0x10200] =	vst v63  }
0xa: {  	s5 =	sadd.s32 s5, s6;
	s6 =	simm.s32 $0x3  }
0xb: {  	[tilespmem:s2], [sflag:$0x3] =	stream.linear.gather [hbm4b:s5+s2], $0x200, $0x38;
	[tilespmem:$0x10200] =	vst v63  }
0xc: {  	_ =	swait.ge [sflag:s6], $0x200  }
0xd: {  	s8 =	simm.s32 $0x80;
	[sflag:s6] =	ssyncset.done $0x0  }
0xe: {  	s9 =	simm.s32 $0x200;
	s7 =	sadd.s32 $0x1B7800, s7;
	[sflag:s6] =	ssyncadd.s32 $0xFFFFFE00  }
0xf: {  	[tilespmem:s9], [sflag:$0x1] =	stream.indirect.gather [hbm4b:s7+s8], $0x20, s2, s8, $0xb8;
	[tilespmem:$0x10200] =	vst v63  }
0x10: {  	s10 =	simm.s32 $0x1200  }
0x11: {  	[tilespmem:s10], [sflag:$0x1] =	stream.indirect.gather [hbm4b:s7+s8], $0x20, s8, s8, $0xb8;
	[tilespmem:$0x10200] =	vst v63  }
0x12: {  	s11 =	simm.s32 $0x100;
	s12 =	simm.s32 $0x2200  }
0x13: {  	[tilespmem:s12], [sflag:$0x1] =	stream.indirect.gather [hbm4b:s7+s8], $0x20, s11, s8, $0xb8;
	[tilespmem:$0x10200] =	vst v63  }
0x14: {  	s13 =	simm.s32 $0x180;
	s15 =	simm.s32 $0x3200;
	s14 =	simm.s32 $0x2  }
0x15: {  	[tilespmem:s15], [sflag:$0x1] =	stream.indirect.gather [hbm4b:s7+s8], $0x20, s13, s8, $0xb8;
	[tilespmem:$0x10200] =	vst v63  }
0x16: {  	_ =	swait.ge [sflag:s14], $0xC000  }
0x17: {  	s18 =	simm.s32 $0x1;
	s17 =	sshll.u32 s17, $0x4;
	[sflag:s14] =	ssyncset.done $0x0  }
0x18: {  	s16 =	sadd.s32 s16, s17;
	s17 =	simm.s32 $0x60;
	[sflag:s14] =	ssyncadd.s32 $0xFFFF4000  }
0x19: {  	[hbm4b:s16+s17] =	stream.strided.scatter [tilespmem:s4], [sflag:$0x2], $0xC000, s8, s17, $0x38;
	[tilespmem:$0x10200] =	vst v63  }
0x1a: {  	_ =	swait.ge [sflag:s18], $0x1000  }
0x1b: {  	[sflag:s18] =	ssyncset.done $0x0  }
0x1c: {  	[sflag:s18] =	ssyncadd.s32 $0xFFFFF000  }
0x1d: {  	_ =	swait.ge [sflag:s18], $0x1000  }
0x1e: {  	[sflag:s18] =	ssyncset.done $0x0  }
0x1f: {  	[sflag:s18] =	ssyncadd.s32 $0xFFFFF000  }
0x20: {  	_ =	swait.ge [sflag:s18], $0x1000  }
0x21: {  	s21 =	ssub.s32 $0x2, s19;
	[sflag:s18] =	ssyncset.done $0x0  }
0x22: {  	s22 =	sshrl.u32 s21, $0x1;
	[sflag:s18] =	ssyncadd.s32 $0xFFFFF000  }
0x23: {  	s21 =	ssub.s32 s21, s22;
	_ =	swait.ge [sflag:s18], $0x1000  }
0x24: {  	s20 =	simm.s32 $0x20;
	s21 =	smax.u32 s21, $0x1;
	[sflag:s18] =	ssyncset.done $0x0  }
0x25: {  	s19 =	sadd.s32 $0xC, s16;
	p0 =	sne.s32 s21, $0x1;
	[sflag:s18] =	ssyncadd.s32 $0xFFFFF000  }
0x26: {  	[hbm4b:s19+s20] =	stream.strided.scatter [tilespmem:s9], [sflag:$0x2], $0x4000, s8, s20, $0x38;
	[tilespmem:$0x10200] =	vst v63  }
.Ltmp0:
0x27: {  	_ =	swait.ge [sflag:s14], $0xC000;
	(pc) =	sbr.rel @!p0 .LBB2_2-.Ltmp0, $4  }
0x28: {  	[sflag:s14] =	ssyncset.done $0x0  }
0x29: {  	[sflag:s14] =	ssyncadd.s32 $0xFFFF4000  }
0x2a: {  	_ =	swait.ge [sflag:s14], $0x4000  }
0x2b: {  	s21 =	sadd.s32 $0xFFFFFFFF, s21;
	[sflag:s14] =	ssyncset.done $0x0  }
.LBB2_1:
0x2c: {  	p0 =	sne.s32 s21, $0x1;
	s21 =	sadd.s32 $0xFFFFFFFF, s21;
	[sflag:s14] =	ssyncadd.s32 $0xFFFFC000  }
0x2d: {  	[tilespmem:s4], [sflag:$0x2] =	stream.linear.gather [hbm4b:s3+s2], $0xC000, $0x38;
	[tilespmem:$0x10200] =	vst v63  }
0x2e: {  	_ = 	snop  }
0x2f: {  	[tilespmem:s2], [sflag:$0x3] =	stream.linear.gather [hbm4b:s5+s2], $0x200, $0x38;
	[tilespmem:$0x10200] =	vst v63  }
0x30: {  	_ =	swait.ge [sflag:s6], $0x200  }
0x31: {  	[sflag:s6] =	ssyncset.done $0x0  }
0x32: {  	[sflag:s6] =	ssyncadd.s32 $0xFFFFFE00  }
0x33: {  	[tilespmem:s9], [sflag:$0x1] =	stream.indirect.gather [hbm4b:s7+s8], $0x20, s2, s8, $0xb8;
	[tilespmem:$0x10200] =	vst v63  }
0x34: {  	_ = 	snop  }
0x35: {  	[tilespmem:s10], [sflag:$0x1] =	stream.indirect.gather [hbm4b:s7+s8], $0x20, s8, s8, $0xb8;
	[tilespmem:$0x10200] =	vst v63  }
0x36: {  	_ = 	snop  }
0x37: {  	[tilespmem:s12], [sflag:$0x1] =	stream.indirect.gather [hbm4b:s7+s8], $0x20, s11, s8, $0xb8;
	[tilespmem:$0x10200] =	vst v63  }
0x38: {  	_ = 	snop  }
0x39: {  	[tilespmem:s15], [sflag:$0x1] =	stream.indirect.gather [hbm4b:s7+s8], $0x20, s13, s8, $0xb8;
	[tilespmem:$0x10200] =	vst v63  }
0x3a: {  	_ =	swait.ge [sflag:s14], $0xC000  }
0x3b: {  	[sflag:s14] =	ssyncset.done $0x0  }
0x3c: {  	[sflag:s14] =	ssyncadd.s32 $0xFFFF4000  }
0x3d: {  	[hbm4b:s16+s17] =	stream.strided.scatter [tilespmem:s4], [sflag:$0x2], $0xC000, s8, s17, $0x38;
	[tilespmem:$0x10200] =	vst v63  }
0x3e: {  	_ =	swait.ge [sflag:s18], $0x1000  }
0x3f: {  	[sflag:s18] =	ssyncset.done $0x0  }
0x40: {  	[sflag:s18] =	ssyncadd.s32 $0xFFFFF000  }
0x41: {  	_ =	swait.ge [sflag:s18], $0x1000  }
0x42: {  	[sflag:s18] =	ssyncset.done $0x0  }
0x43: {  	[sflag:s18] =	ssyncadd.s32 $0xFFFFF000  }
0x44: {  	_ =	swait.ge [sflag:s18], $0x1000  }
0x45: {  	[sflag:s18] =	ssyncset.done $0x0  }
0x46: {  	[sflag:s18] =	ssyncadd.s32 $0xFFFFF000  }
0x47: {  	_ =	swait.ge [sflag:s18], $0x1000  }
0x48: {  	[sflag:s18] =	ssyncset.done $0x0  }
0x49: {  	[sflag:s18] =	ssyncadd.s32 $0xFFFFF000  }
0x4a: {  	[hbm4b:s19+s20] =	stream.strided.scatter [tilespmem:s9], [sflag:$0x2], $0x4000, s8, s20, $0x38;
	[tilespmem:$0x10200] =	vst v63  }
.Ltmp1:
0x4b: {  	_ =	swait.ge [sflag:s14], $0xC000;
	(pc) =	sbr.rel @p0 .LBB2_1-.Ltmp1, $4  }
0x4c: {  	[sflag:s14] =	ssyncset.done $0x0  }
0x4d: {  	[sflag:s14] =	ssyncadd.s32 $0xFFFF4000  }
0x4e: {  	_ =	swait.ge [sflag:s14], $0x4000  }
0x4f: {  	[sflag:s14] =	ssyncset.done $0x0  }
.LBB2_2:
0x50: {  	[sflag:s14] =	ssyncadd.s32 $0xFFFFC000  }
0x51: {  	_ =	sfence.sel $0x180000  }
0x52: {  	[bflag:$0x0] =	sbarrier.arrive $0xFFFF  }
0x53: {  	p0 =	sne.s32 s0, $0x0;
	_ =	strace $0x9000004A  }
0x54: {  	s0 =	sadd.s32 @!p0 $0x100000, s1;
	[bflag:$0x2] =	sbarrier.arrive $0xFFFF  }
0x55: {  	[sflag:s0] =	ssyncadd.tile.s32 @!p0 $0x1;
	_ =	shalt  }
.Lfunc_end2:
_tile_overlayer_lowered:
.L_overlay_start_2:
0x56: {  	(tag) =	ssettag $0x2  }
0x57: {  	s0 =	rddreg [dreg:$0x0];
	s2 =	stileid.u32  }
0x58: {  	s1 =	rddreg [dreg:$0x1];
	p0 =	sne.s32 s2, $0x0  }
0x59: {  	s3 =	rddreg [dreg:$0x2];
	[bflag:$0x3] =	sbarrier.arrive $0xFFFF;
	s2 =	simm.s32 @!p0 $0x1C03  }
0x5a: {  	[timem:s3], [sflag:s2] =	dma.local @!p0 [hbm:s0], s1  }
0x5b: {  	s0 =	simm.s32 @!p0 $0x3  }
0x5c: {  	_ =	swait.ge @!p0 [sflag:s0], s1  }
0x5d: {  	s1 =	ssub.s32 @!p0 $0x0, s1;
	[sflag:s0] =	ssyncset.done @!p0 $0x0  }
0x5e: {  	[sflag:s0] =	ssyncadd.s32 @!p0 s1  }
0x5f: {  	[bflag:$0x3] =	sbarrier.arrive $0xFFFF  }
0x60: {  	_ =	shalt  }

</sc_bundles>
